<compile_context>
chip_gen: v7x
topology: tpu7x:2x2x1
jax: 0.10.2.dev20260603
libtpu: 0.0.44.dev20260713+nightly
codegen_flags: <defaults>
</compile_context>

<pallas_src>
import functools

import jax
import jax.numpy as jnp
from jax import lax
from jax.experimental import pallas as pl
from jax.experimental.pallas import tpu as pltpu
from jax.experimental.pallas import tpu_sc as plsc

B, T, F = 1024, 200, 128
EMB = 64
N = B * T
OUTW = (F - 1) + EMB
NC, NS, L = 2, 16, 16
NW = NC * NS
RPW = N // NW
C = 64
NCHUNK = RPW // C


def _sc_body(x_hbm, table_hbm, out_hbm,
             xc0, xc1, idx0, idx1, emb0, emb1, oc0, oc1,
             ld0, ld1, g0, g1, s0, s1):
    cid = lax.axis_index("c")
    sid = lax.axis_index("s")
    wid = sid * NC + cid
    wbase = wid * RPW

    xcs, idxs, embs, ocs = (xc0, xc1), (idx0, idx1), (emb0, emb1), (oc0, oc1)
    lds, gs, ss = (ld0, ld1), (g0, g1), (s0, s1)

    zeros16 = jnp.zeros((L,), jnp.int32)
    iota16 = lax.iota(jnp.int32, L)
    shl1 = jnp.where(iota16 < 15, iota16 + 1, 15)

    def load(j, b):
        return pltpu.make_async_copy(
            x_hbm.at[pl.ds(wbase + j * C, C)], xcs[b], lds[b])

    def gath(b):
        return pltpu.make_async_copy(table_hbm.at[idxs[b]], embs[b], gs[b])

    def store(j, b):
        return pltpu.make_async_copy(
            ocs[b], out_hbm.at[pl.ds(wbase + j * C, C)], ss[b])

    def idx_compute(b):
        for jj in range(C // L):
            rows = iota16 + jj * L
            v = plsc.load_gather(xcs[b], [rows, zeros16])
            idxs[b][pl.ds(jj * L, L)] = (v - 1.0).astype(jnp.int32)

    def assemble(b):
        xc, emb, outc = xcs[b], embs[b], ocs[b]

        @plsc.parallel_loop(0, C, step=1, unroll=4)
        def _row(r):
            vxs = [xc[r, pl.ds(1 + j * L, L)] for j in range(7)]
            vx = xc[r, pl.ds(112, L)]
            ve = emb[r, pl.ds(0, L)]
            ves = [emb[r, pl.ds(o, L)] for o in (1, 17, 33, 48)]
            shifted = vx.at[shl1].get(mode="promise_in_bounds")
            splat0 = ve.at[zeros16].get(mode="promise_in_bounds")
            vmix = jnp.where(iota16 < 15, shifted, splat0)
            for j in range(7):
                outc[r, pl.ds(j * L, L)] = vxs[j]
            outc[r, pl.ds(112, L)] = vmix
            for k, o in enumerate((128, 144, 160, 175)):
                outc[r, pl.ds(o, L)] = ves[k]

    load(0, 0).start()
    load(0, 0).wait()
    idx_compute(0)
    gath(0).start()
    load(1, 1).start()

    def pair(k, carry):
        for b in (0, 1):
            j = 2 * k + b
            nb = 1 - b

            @pl.when(j + 1 < NCHUNK)
            def _():
                load(j + 1, nb).wait()
                idx_compute(nb)
                gath(nb).start()

            gath(b).wait()

            @pl.when(j >= 2)
            def _():
                store(j - 2, b).wait()

            assemble(b)
            store(j, b).start()

            @pl.when(j + 2 < NCHUNK)
            def _():
                load(j + 2, b).start()
        return carry

    lax.fori_loop(0, NCHUNK // 2, pair, 0)
    store(NCHUNK - 2, 0).wait()
    store(NCHUNK - 1, 1).wait()


@jax.jit
def _run(x2d, table):
    mesh = plsc.VectorSubcoreMesh(core_axis_name="c", subcore_axis_name="s")
    return pl.kernel(
        _sc_body,
        mesh=mesh,
        compiler_params=pltpu.CompilerParams(needs_layout_passes=False),
        out_type=jax.ShapeDtypeStruct((N, OUTW), jnp.float32),
        scratch_types=[
            pltpu.VMEM((C, F), jnp.float32),
            pltpu.VMEM((C, F), jnp.float32),
            pltpu.VMEM((C,), jnp.int32),
            pltpu.VMEM((C,), jnp.int32),
            pltpu.VMEM((C, F), jnp.float32),
            pltpu.VMEM((C, F), jnp.float32),
            pltpu.VMEM((C, OUTW), jnp.float32),
            pltpu.VMEM((C, OUTW), jnp.float32),
            pltpu.SemaphoreType.DMA,
            pltpu.SemaphoreType.DMA,
            pltpu.SemaphoreType.DMA,
            pltpu.SemaphoreType.DMA,
            pltpu.SemaphoreType.DMA,
            pltpu.SemaphoreType.DMA,
        ],
    )(x2d, table)


def kernel(x, table):
    table128 = jnp.pad(table, ((0, 0), (0, F - EMB)))
    out = _run(x.reshape(N, F), table128)
    return out.reshape(B, T, OUTW)

# --- scband reference (transcript-rebuilt; emitter-appended) ---
"""Pipeline reference for scband-instruments-embedding-65025804861957 (READ-ONLY COPY).

The authoritative reference and input builder live on the scoring server;
editing this copy changes nothing except your own understanding.
"""

import jax, jax.numpy as jnp
import numpy as np

B, T, F = 1024, 200, 128
D_INSTRU = 100000
EMB_DIM = 64

def setup_inputs(seed: int = 0) -> dict:
    key = jax.random.key(seed)
    k1, k2, k3 = jax.random.split(key, 3)
    # feature part of x: uniform floats
    x = jax.random.uniform(k1, (B, T, F), dtype=jnp.float32)
    # column 0 holds 1-based instrument/maturity ids in [1, D_INSTRU]
    ids = jax.random.randint(k2, (B, T), 1, D_INSTRU + 1).astype(jnp.float32)
    x = x.at[:, :, 0].set(ids)
    # embedding table (learned parameter), sized per init_kwargs
    table = jax.random.normal(k3, (D_INSTRU, EMB_DIM), dtype=jnp.float32)
    return {"x": x, "table": table}

def reference(x, table):
    # maturity = x[:, :, 0] - 1, cast to int (torch .long() truncates toward zero)
    maturity = (x[:, :, 0] - 1.0).astype(jnp.int32)
    # embedding lookup: gather rows of table
    emb = jnp.take(table, maturity, axis=0)
    # after = cat(x[:, :, 1:], emb) along last dim
    after = jnp.concatenate([x[:, :, 1:], emb], axis=2)
    # base class _forward is abstract; treat as identity so the embedding+concat
    # behavior of this wrapper is what is measured
    return after

if __name__ == "__main__":
    import jax
    _d = setup_inputs()
    print(jax.jit(kernel)(*tuple(_d.values())))

</pallas_src>

<mosaic_0001>
#map = affine_map<(d0, d1) -> (0, 0)>
module attributes {stable_mosaic.version = 14 : i64} {
  func.func @_sc_body(%arg0: i32, %arg1: i32, %arg2: memref<204800x128xf32, #tpu.memory_space<hbm>>, %arg3: memref<100000x128xf32, #tpu.memory_space<hbm>>, %arg4: memref<204800x191xf32, #tpu.memory_space<hbm>>, %arg5: memref<64x128xf32, #tpu.memory_space<vmem>>, %arg6: memref<64x128xf32, #tpu.memory_space<vmem>>, %arg7: memref<64xi32, #tpu.memory_space<vmem>>, %arg8: memref<64xi32, #tpu.memory_space<vmem>>, %arg9: memref<64x128xf32, #tpu.memory_space<vmem>>, %arg10: memref<64x128xf32, #tpu.memory_space<vmem>>, %arg11: memref<64x191xf32, #tpu.memory_space<vmem>>, %arg12: memref<64x191xf32, #tpu.memory_space<vmem>>, %arg13: memref<!tpu.dma_semaphore, #tpu.memory_space<semaphore_mem>>, %arg14: memref<!tpu.dma_semaphore, #tpu.memory_space<semaphore_mem>>, %arg15: memref<!tpu.dma_semaphore, #tpu.memory_space<semaphore_mem>>, %arg16: memref<!tpu.dma_semaphore, #tpu.memory_space<semaphore_mem>>, %arg17: memref<!tpu.dma_semaphore, #tpu.memory_space<semaphore_mem>>, %arg18: memref<!tpu.dma_semaphore, #tpu.memory_space<semaphore_mem>>) attributes {dimension_semantics = [#tpu.dimension_semantics<core_parallel>, #tpu.dimension_semantics<subcore_parallel>], iteration_bounds = array<i64: 2, 16>, scalar_prefetch = 0 : i64, scratch_operands = 14 : i64, tpu.core_type = #tpu.core_type<sc_vector_subcore>, window_params = [{transform_indices = #map}, {transform_indices = #map}, {transform_indices = #map}]} {
    %mul3A = arith.constant 2 : i32
    %mul3A_0 = arith.muli %arg1, %mul3A : i32
    %add3A = arith.addi %mul3A_0, %arg0 : i32
    %mul3A_1 = arith.constant 6400 : i32
    %mul3A_2 = arith.muli %add3A, %mul3A_1 : i32
    %broadcast_in_dim3A = arith.constant 0 : i32
    %broadcast_in_dim3A_3 = vector.broadcast %broadcast_in_dim3A : i32 to vector<16xi32>
    %iota3A = tpu.iota {dimensions = array<i32: 0>} : vector<16xi32>
    %lt3A = arith.constant 15 : i32
    %lt3A_4 = vector.broadcast %lt3A : i32 to vector<16xi32>
    %lt3A_5 = arith.cmpi slt, %iota3A, %lt3A_4 : vector<16xi32>
    %add3A_6 = arith.constant 1 : i32
    %add3A_7 = vector.broadcast %add3A_6 : i32 to vector<16xi32>
    %add3A_8 = arith.addi %iota3A, %add3A_7 : vector<16xi32>
    %jit3A = arith.constant 15 : i32
    %broadcast_in_dim3A_9 = vector.broadcast %jit3A : i32 to vector<16xi32>
    %select_n3A = arith.select %lt3A_5, %add3A_8, %broadcast_in_dim3A_9 : vector<16xi1>, vector<16xi32>
    %add3A_10 = arith.constant 0 : i32
    %add3A_11 = arith.addi %mul3A_2, %add3A_10 : i32
    %dma_start3A = arith.constant 0 : i32
    %dma_start3A_12 = tpu.memref_slice %arg2[%add3A_11, %dma_start3A] : memref<204800x128xf32, #tpu.memory_space<hbm>> -> memref<64x128xf32, #tpu.memory_space<hbm>>
    %dma_start3A_13 = arith.constant 0 : i32
    %dma_start3A_14 = tpu.memref_slice %arg2[%add3A_11, %dma_start3A_13] : memref<204800x128xf32, #tpu.memory_space<hbm>> -> memref<64x128xf32, #tpu.memory_space<hbm>>
    tpu.enqueue_dma source(%dma_start3A_14 : memref<64x128xf32, #tpu.memory_space<hbm>>) target(%arg5 : memref<64x128xf32, #tpu.memory_space<vmem>>) target_semaphore(%arg13 : memref<!tpu.dma_semaphore, #tpu.memory_space<semaphore_mem>>)
    %add3A_15 = arith.constant 0 : i32
    %add3A_16 = arith.addi %mul3A_2, %add3A_15 : i32
    %dma_wait3A = arith.constant 0 : i32
    %dma_wait3A_17 = tpu.memref_slice %arg2[%add3A_16, %dma_wait3A] : memref<204800x128xf32, #tpu.memory_space<hbm>> -> memref<64x128xf32, #tpu.memory_space<hbm>>
    %dma_wait3A_18 = arith.constant 0 : i32
    %dma_wait3A_19 = tpu.memref_slice %arg2[%add3A_16, %dma_wait3A_18] : memref<204800x128xf32, #tpu.memory_space<hbm>> -> memref<64x128xf32, #tpu.memory_space<hbm>>
    tpu.wait_dma2 semaphore(%arg13 : memref<!tpu.dma_semaphore, #tpu.memory_space<semaphore_mem>>) src(%dma_wait3A_19 : memref<64x128xf32, #tpu.memory_space<hbm>>) dst(%arg5 : memref<64x128xf32, #tpu.memory_space<vmem>>)
    %add3A_20 = arith.constant 0 : i32
    %add3A_21 = vector.broadcast %add3A_20 : i32 to vector<16xi32>
    %add3A_22 = arith.addi %iota3A, %add3A_21 : vector<16xi32>
    %gather3A = tpu.vector_load_idx %arg5[%add3A_22, %broadcast_in_dim3A_3] : memref<64x128xf32, #tpu.memory_space<vmem>>[vector<16xi32>, vector<16xi32>], vector<16xf32>,
    %sub3A = arith.constant 1.000000e+00 : f32
    %sub3A_23 = vector.broadcast %sub3A : f32 to vector<16xf32>
    %sub3A_24 = arith.subf %gather3A, %sub3A_23 : vector<16xf32>
    %convert_element_type3A = arith.fptosi %sub3A_24 : vector<16xf32> to vector<16xi32>
    %swap3A = arith.constant 0 : index
    %swap3A_25 = tpu.vector_load %arg7[%swap3A] {strides = array<i32>} : memref<64xi32, #tpu.memory_space<vmem>>, vector<16xi32>,
    tpu.vector_store %arg7[%swap3A], %convert_element_type3A {strides = array<i32>} : memref<64xi32, #tpu.memory_space<vmem>>, vector<16xi32>,
    %add3A_26 = arith.constant 16 : i32
    %add3A_27 = vector.broadcast %add3A_26 : i32 to vector<16xi32>
    %add3A_28 = arith.addi %iota3A, %add3A_27 : vector<16xi32>
    %gather3A_29 = tpu.vector_load_idx %arg5[%add3A_28, %broadcast_in_dim3A_3] : memref<64x128xf32, #tpu.memory_space<vmem>>[vector<16xi32>, vector<16xi32>], vector<16xf32>,
    %sub3A_30 = arith.constant 1.000000e+00 : f32
    %sub3A_31 = vector.broadcast %sub3A_30 : f32 to vector<16xf32>
    %sub3A_32 = arith.subf %gather3A_29, %sub3A_31 : vector<16xf32>
    %convert_element_type3A_33 = arith.fptosi %sub3A_32 : vector<16xf32> to vector<16xi32>
    %swap3A_34 = arith.constant 16 : index
    %swap3A_35 = tpu.vector_load %arg7[%swap3A_34] {strides = array<i32>} : memref<64xi32, #tpu.memory_space<vmem>>, vector<16xi32>,
    tpu.vector_store %arg7[%swap3A_34], %convert_element_type3A_33 {strides = array<i32>} : memref<64xi32, #tpu.memory_space<vmem>>, vector<16xi32>,
    %add3A_36 = arith.constant 32 : i32
    %add3A_37 = vector.broadcast %add3A_36 : i32 to vector<16xi32>
    %add3A_38 = arith.addi %iota3A, %add3A_37 : vector<16xi32>
    %gather3A_39 = tpu.vector_load_idx %arg5[%add3A_38, %broadcast_in_dim3A_3] : memref<64x128xf32, #tpu.memory_space<vmem>>[vector<16xi32>, vector<16xi32>], vector<16xf32>,
    %sub3A_40 = arith.constant 1.000000e+00 : f32
    %sub3A_41 = vector.broadcast %sub3A_40 : f32 to vector<16xf32>
    %sub3A_42 = arith.subf %gather3A_39, %sub3A_41 : vector<16xf32>
    %convert_element_type3A_43 = arith.fptosi %sub3A_42 : vector<16xf32> to vector<16xi32>
    %swap3A_44 = arith.constant 32 : index
    %swap3A_45 = tpu.vector_load %arg7[%swap3A_44] {strides = array<i32>} : memref<64xi32, #tpu.memory_space<vmem>>, vector<16xi32>,
    tpu.vector_store %arg7[%swap3A_44], %convert_element_type3A_43 {strides = array<i32>} : memref<64xi32, #tpu.memory_space<vmem>>, vector<16xi32>,
    %add3A_46 = arith.constant 48 : i32
    %add3A_47 = vector.broadcast %add3A_46 : i32 to vector<16xi32>
    %add3A_48 = arith.addi %iota3A, %add3A_47 : vector<16xi32>
    %gather3A_49 = tpu.vector_load_idx %arg5[%add3A_48, %broadcast_in_dim3A_3] : memref<64x128xf32, #tpu.memory_space<vmem>>[vector<16xi32>, vector<16xi32>], vector<16xf32>,
    %sub3A_50 = arith.constant 1.000000e+00 : f32
    %sub3A_51 = vector.broadcast %sub3A_50 : f32 to vector<16xf32>
    %sub3A_52 = arith.subf %gather3A_49, %sub3A_51 : vector<16xf32>
    %convert_element_type3A_53 = arith.fptosi %sub3A_52 : vector<16xf32> to vector<16xi32>
    %swap3A_54 = arith.constant 48 : index
    %swap3A_55 = tpu.vector_load %arg7[%swap3A_54] {strides = array<i32>} : memref<64xi32, #tpu.memory_space<vmem>>, vector<16xi32>,
    tpu.vector_store %arg7[%swap3A_54], %convert_element_type3A_53 {strides = array<i32>} : memref<64xi32, #tpu.memory_space<vmem>>, vector<16xi32>,
    %dma_start3A_56 = arith.constant 0 : i32
    %dma_start3A_57 = arith.constant 0 : i32
    %dma_start3A_58 = tpu.memref_slice %arg3[%dma_start3A_56, %dma_start3A_57] : memref<100000x128xf32, #tpu.memory_space<hbm>> -> memref<100000x128xf32, #tpu.memory_space<hbm>>
    tpu.enqueue_indirect_dma source(%dma_start3A_58 : memref<100000x128xf32, #tpu.memory_space<hbm>>) target(%arg9 : memref<64x128xf32, #tpu.memory_space<vmem>>) offsets(%arg7 : memref<64xi32, #tpu.memory_space<vmem>>) semaphore(%arg15 : memref<!tpu.dma_semaphore, #tpu.memory_space<semaphore_mem>>)
    %add3A_59 = arith.constant 64 : i32
    %add3A_60 = arith.addi %mul3A_2, %add3A_59 : i32
    %dma_start3A_61 = arith.constant 0 : i32
    %dma_start3A_62 = tpu.memref_slice %arg2[%add3A_60, %dma_start3A_61] : memref<204800x128xf32, #tpu.memory_space<hbm>> -> memref<64x128xf32, #tpu.memory_space<hbm>>
    %dma_start3A_63 = arith.constant 0 : i32
    %dma_start3A_64 = tpu.memref_slice %arg2[%add3A_60, %dma_start3A_63] : memref<204800x128xf32, #tpu.memory_space<hbm>> -> memref<64x128xf32, #tpu.memory_space<hbm>>
    tpu.enqueue_dma source(%dma_start3A_64 : memref<64x128xf32, #tpu.memory_space<hbm>>) target(%arg6 : memref<64x128xf32, #tpu.memory_space<vmem>>) target_semaphore(%arg14 : memref<!tpu.dma_semaphore, #tpu.memory_space<semaphore_mem>>)
    %scan3A = arith.constant 0 : i32
    %scan3A_65 = arith.constant 0 : i32
    %scan3A_66 = arith.constant 50 : i32
    %scan3A_67 = arith.addi %scan3A_65, %scan3A_66 : i32
    %scan3A_68 = arith.constant 1 : i32
    scf.for %scan3A_82 = %scan3A_65 to %scan3A_67 step %scan3A_68  : i32 {
      %mul3A_83 = arith.constant 2 : i32
      %mul3A_84 = arith.muli %mul3A_83, %scan3A_82 : i32
      %add3A_85 = arith.constant 0 : i32
      %add3A_86 = arith.addi %mul3A_84, %add3A_85 : i32
      %add3A_87 = arith.constant 1 : i32
      %add3A_88 = arith.addi %add3A_86, %add3A_87 : i32
      %lt3A_89 = arith.constant 100 : i32
      %lt3A_90 = arith.cmpi slt, %add3A_88, %lt3A_89 : i32
      %convert_element_type3A_91 = arith.extui %lt3A_90 : i1 to i32
      %cond3A = arith.constant 0 : i32
      %cond3A_92 = arith.cmpi ne, %convert_element_type3A_91, %cond3A : i32
      scf.if %cond3A_92 {
        %add3A_152 = arith.constant 1 : i32
        %add3A_153 = arith.addi %add3A_86, %add3A_152 : i32
        %mul3A_154 = arith.constant 64 : i32
        %mul3A_155 = arith.muli %add3A_153, %mul3A_154 : i32
        %add3A_156 = arith.addi %mul3A_2, %mul3A_155 : i32
        %dma_wait3A_157 = arith.constant 0 : i32
        %dma_wait3A_158 = tpu.memref_slice %arg2[%add3A_156, %dma_wait3A_157] : memref<204800x128xf32, #tpu.memory_space<hbm>> -> memref<64x128xf32, #tpu.memory_space<hbm>>
        %dma_wait3A_159 = arith.constant 0 : i32
        %dma_wait3A_160 = tpu.memref_slice %arg2[%add3A_156, %dma_wait3A_159] : memref<204800x128xf32, #tpu.memory_space<hbm>> -> memref<64x128xf32, #tpu.memory_space<hbm>>
        tpu.wait_dma2 semaphore(%arg14 : memref<!tpu.dma_semaphore, #tpu.memory_space<semaphore_mem>>) src(%dma_wait3A_160 : memref<64x128xf32, #tpu.memory_space<hbm>>) dst(%arg6 : memref<64x128xf32, #tpu.memory_space<vmem>>)
        %add3A_161 = arith.constant 0 : i32
        %add3A_162 = vector.broadcast %add3A_161 : i32 to vector<16xi32>
        %add3A_163 = arith.addi %iota3A, %add3A_162 : vector<16xi32>
        %gather3A_164 = tpu.vector_load_idx %arg6[%add3A_163, %broadcast_in_dim3A_3] : memref<64x128xf32, #tpu.memory_space<vmem>>[vector<16xi32>, vector<16xi32>], vector<16xf32>,
        %sub3A_165 = arith.constant 1.000000e+00 : f32
        %sub3A_166 = vector.broadcast %sub3A_165 : f32 to vector<16xf32>
        %sub3A_167 = arith.subf %gather3A_164, %sub3A_166 : vector<16xf32>
        %convert_element_type3A_168 = arith.fptosi %sub3A_167 : vector<16xf32> to vector<16xi32>
        %swap3A_169 = arith.constant 0 : index
        %swap3A_170 = tpu.vector_load %arg8[%swap3A_169] {strides = array<i32>} : memref<64xi32, #tpu.memory_space<vmem>>, vector<16xi32>,
        tpu.vector_store %arg8[%swap3A_169], %convert_element_type3A_168 {strides = array<i32>} : memref<64xi32, #tpu.memory_space<vmem>>, vector<16xi32>,
        %add3A_171 = arith.constant 16 : i32
        %add3A_172 = vector.broadcast %add3A_171 : i32 to vector<16xi32>
        %add3A_173 = arith.addi %iota3A, %add3A_172 : vector<16xi32>
        %gather3A_174 = tpu.vector_load_idx %arg6[%add3A_173, %broadcast_in_dim3A_3] : memref<64x128xf32, #tpu.memory_space<vmem>>[vector<16xi32>, vector<16xi32>], vector<16xf32>,
        %sub3A_175 = arith.constant 1.000000e+00 : f32
        %sub3A_176 = vector.broadcast %sub3A_175 : f32 to vector<16xf32>
        %sub3A_177 = arith.subf %gather3A_174, %sub3A_176 : vector<16xf32>
        %convert_element_type3A_178 = arith.fptosi %sub3A_177 : vector<16xf32> to vector<16xi32>
        %swap3A_179 = arith.constant 16 : index
        %swap3A_180 = tpu.vector_load %arg8[%swap3A_179] {strides = array<i32>} : memref<64xi32, #tpu.memory_space<vmem>>, vector<16xi32>,
        tpu.vector_store %arg8[%swap3A_179], %convert_element_type3A_178 {strides = array<i32>} : memref<64xi32, #tpu.memory_space<vmem>>, vector<16xi32>,
        %add3A_181 = arith.constant 32 : i32
        %add3A_182 = vector.broadcast %add3A_181 : i32 to vector<16xi32>
        %add3A_183 = arith.addi %iota3A, %add3A_182 : vector<16xi32>
        %gather3A_184 = tpu.vector_load_idx %arg6[%add3A_183, %broadcast_in_dim3A_3] : memref<64x128xf32, #tpu.memory_space<vmem>>[vector<16xi32>, vector<16xi32>], vector<16xf32>,
        %sub3A_185 = arith.constant 1.000000e+00 : f32
        %sub3A_186 = vector.broadcast %sub3A_185 : f32 to vector<16xf32>
        %sub3A_187 = arith.subf %gather3A_184, %sub3A_186 : vector<16xf32>
        %convert_element_type3A_188 = arith.fptosi %sub3A_187 : vector<16xf32> to vector<16xi32>
        %swap3A_189 = arith.constant 32 : index
        %swap3A_190 = tpu.vector_load %arg8[%swap3A_189] {strides = array<i32>} : memref<64xi32, #tpu.memory_space<vmem>>, vector<16xi32>,
        tpu.vector_store %arg8[%swap3A_189], %convert_element_type3A_188 {strides = array<i32>} : memref<64xi32, #tpu.memory_space<vmem>>, vector<16xi32>,
        %add3A_191 = arith.constant 48 : i32
        %add3A_192 = vector.broadcast %add3A_191 : i32 to vector<16xi32>
        %add3A_193 = arith.addi %iota3A, %add3A_192 : vector<16xi32>
        %gather3A_194 = tpu.vector_load_idx %arg6[%add3A_193, %broadcast_in_dim3A_3] : memref<64x128xf32, #tpu.memory_space<vmem>>[vector<16xi32>, vector<16xi32>], vector<16xf32>,
        %sub3A_195 = arith.constant 1.000000e+00 : f32
        %sub3A_196 = vector.broadcast %sub3A_195 : f32 to vector<16xf32>
        %sub3A_197 = arith.subf %gather3A_194, %sub3A_196 : vector<16xf32>
        %convert_element_type3A_198 = arith.fptosi %sub3A_197 : vector<16xf32> to vector<16xi32>
        %swap3A_199 = arith.constant 48 : index
        %swap3A_200 = tpu.vector_load %arg8[%swap3A_199] {strides = array<i32>} : memref<64xi32, #tpu.memory_space<vmem>>, vector<16xi32>,
        tpu.vector_store %arg8[%swap3A_199], %convert_element_type3A_198 {strides = array<i32>} : memref<64xi32, #tpu.memory_space<vmem>>, vector<16xi32>,
        %dma_start3A_201 = arith.constant 0 : i32
        %dma_start3A_202 = arith.constant 0 : i32
        %dma_start3A_203 = tpu.memref_slice %arg3[%dma_start3A_201, %dma_start3A_202] : memref<100000x128xf32, #tpu.memory_space<hbm>> -> memref<100000x128xf32, #tpu.memory_space<hbm>>
        tpu.enqueue_indirect_dma source(%dma_start3A_203 : memref<100000x128xf32, #tpu.memory_space<hbm>>) target(%arg10 : memref<64x128xf32, #tpu.memory_space<vmem>>) offsets(%arg8 : memref<64xi32, #tpu.memory_space<vmem>>) semaphore(%arg16 : memref<!tpu.dma_semaphore, #tpu.memory_space<semaphore_mem>>)
      } else {
      }
      %dma_wait3A_93 = arith.constant 0 : i32
      %dma_wait3A_94 = arith.constant 0 : i32
      %dma_wait3A_95 = tpu.memref_slice %arg3[%dma_wait3A_93, %dma_wait3A_94] : memref<100000x128xf32, #tpu.memory_space<hbm>> -> memref<100000x128xf32, #tpu.memory_space<hbm>>
      tpu.wait_indirect_dma semaphore(%arg15 : memref<!tpu.dma_semaphore, #tpu.memory_space<semaphore_mem>>) src(%dma_wait3A_95 : memref<100000x128xf32, #tpu.memory_space<hbm>>) dst(%arg9 : memref<64x128xf32, #tpu.memory_space<vmem>>)
      %ge3A = arith.constant 2 : i32
      %ge3A_96 = arith.cmpi sge, %add3A_86, %ge3A : i32
      %convert_element_type3A_97 = arith.extui %ge3A_96 : i1 to i32
      %cond3A_98 = arith.constant 0 : i32
      %cond3A_99 = arith.cmpi ne, %convert_element_type3A_97, %cond3A_98 : i32
      scf.if %cond3A_99 {
        %sub3A_152 = arith.constant 2 : i32
        %sub3A_153 = arith.subi %add3A_86, %sub3A_152 : i32
        %mul3A_154 = arith.constant 64 : i32
        %mul3A_155 = arith.muli %sub3A_153, %mul3A_154 : i32
        %add3A_156 = arith.addi %mul3A_2, %mul3A_155 : i32
        %dma_wait3A_157 = arith.constant 0 : i32
        %dma_wait3A_158 = tpu.memref_slice %arg4[%add3A_156, %dma_wait3A_157] : memref<204800x191xf32, #tpu.memory_space<hbm>> -> memref<64x191xf32, #tpu.memory_space<hbm>>
        %dma_wait3A_159 = arith.constant 0 : i32
        %dma_wait3A_160 = tpu.memref_slice %arg4[%add3A_156, %dma_wait3A_159] : memref<204800x191xf32, #tpu.memory_space<hbm>> -> memref<64x191xf32, #tpu.memory_space<hbm>>
        tpu.wait_dma2 semaphore(%arg17 : memref<!tpu.dma_semaphore, #tpu.memory_space<semaphore_mem>>) src(%arg11 : memref<64x191xf32, #tpu.memory_space<vmem>>) dst(%dma_wait3A_160 : memref<64x191xf32, #tpu.memory_space<hbm>>)
      } else {
      }
      %parallel_loop3A = arith.constant 0 : i32
      %parallel_loop3A_100 = arith.constant 64 : i32
      %parallel_loop3A_101 = arith.constant 1 : i32
      scf.for %parallel_loop3A_152 = %parallel_loop3A to %parallel_loop3A_100 step %parallel_loop3A_101  : i32 {
        %parallel_loop3A_153 = arith.index_cast %parallel_loop3A_152 : i32 to index
        %parallel_loop3A_154 = arith.constant 1 : index
        %parallel_loop3A_155 = tpu.vector_load %arg5[%parallel_loop3A_153, %parallel_loop3A_154] {strides = array<i32>} : memref<64x128xf32, #tpu.memory_space<vmem>>, vector<16xf32>,
        %parallel_loop3A_156 = arith.index_cast %parallel_loop3A_152 : i32 to index
        %parallel_loop3A_157 = arith.constant 17 : index
        %parallel_loop3A_158 = tpu.vector_load %arg5[%parallel_loop3A_156, %parallel_loop3A_157] {strides = array<i32>} : memref<64x128xf32, #tpu.memory_space<vmem>>, vector<16xf32>,
        %parallel_loop3A_159 = arith.index_cast %parallel_loop3A_152 : i32 to index
        %parallel_loop3A_160 = arith.constant 33 : index
        %parallel_loop3A_161 = tpu.vector_load %arg5[%parallel_loop3A_159, %parallel_loop3A_160] {strides = array<i32>} : memref<64x128xf32, #tpu.memory_space<vmem>>, vector<16xf32>,
        %parallel_loop3A_162 = arith.index_cast %parallel_loop3A_152 : i32 to index
        %parallel_loop3A_163 = arith.constant 49 : index
        %parallel_loop3A_164 = tpu.vector_load %arg5[%parallel_loop3A_162, %parallel_loop3A_163] {strides = array<i32>} : memref<64x128xf32, #tpu.memory_space<vmem>>, vector<16xf32>,
        %parallel_loop3A_165 = arith.index_cast %parallel_loop3A_152 : i32 to index
        %parallel_loop3A_166 = arith.constant 65 : index
        %parallel_loop3A_167 = tpu.vector_load %arg5[%parallel_loop3A_165, %parallel_loop3A_166] {strides = array<i32>} : memref<64x128xf32, #tpu.memory_space<vmem>>, vector<16xf32>,
        %parallel_loop3A_168 = arith.index_cast %parallel_loop3A_152 : i32 to index
        %parallel_loop3A_169 = arith.constant 81 : index
        %parallel_loop3A_170 = tpu.vector_load %arg5[%parallel_loop3A_168, %parallel_loop3A_169] {strides = array<i32>} : memref<64x128xf32, #tpu.memory_space<vmem>>, vector<16xf32>,
        %parallel_loop3A_171 = arith.index_cast %parallel_loop3A_152 : i32 to index
        %parallel_loop3A_172 = arith.constant 97 : index
        %parallel_loop3A_173 = tpu.vector_load %arg5[%parallel_loop3A_171, %parallel_loop3A_172] {strides = array<i32>} : memref<64x128xf32, #tpu.memory_space<vmem>>, vector<16xf32>,
        %parallel_loop3A_174 = arith.index_cast %parallel_loop3A_152 : i32 to index
        %parallel_loop3A_175 = arith.constant 112 : index
        %parallel_loop3A_176 = tpu.vector_load %arg5[%parallel_loop3A_174, %parallel_loop3A_175] {strides = array<i32>} : memref<64x128xf32, #tpu.memory_space<vmem>>, vector<16xf32>,
        %parallel_loop3A_177 = arith.index_cast %parallel_loop3A_152 : i32 to index
        %parallel_loop3A_178 = arith.constant 0 : index
        %parallel_loop3A_179 = tpu.vector_load %arg9[%parallel_loop3A_177, %parallel_loop3A_178] {strides = array<i32>} : memref<64x128xf32, #tpu.memory_space<vmem>>, vector<16xf32>,
        %parallel_loop3A_180 = arith.index_cast %parallel_loop3A_152 : i32 to index
        %parallel_loop3A_181 = arith.constant 1 : index
        %parallel_loop3A_182 = tpu.vector_load %arg9[%parallel_loop3A_180, %parallel_loop3A_181] {strides = array<i32>} : memref<64x128xf32, #tpu.memory_space<vmem>>, vector<16xf32>,
        %parallel_loop3A_183 = arith.index_cast %parallel_loop3A_152 : i32 to index
        %parallel_loop3A_184 = arith.constant 17 : index
        %parallel_loop3A_185 = tpu.vector_load %arg9[%parallel_loop3A_183, %parallel_loop3A_184] {strides = array<i32>} : memref<64x128xf32, #tpu.memory_space<vmem>>, vector<16xf32>,
        %parallel_loop3A_186 = arith.index_cast %parallel_loop3A_152 : i32 to index
        %parallel_loop3A_187 = arith.constant 33 : index
        %parallel_loop3A_188 = tpu.vector_load %arg9[%parallel_loop3A_186, %parallel_loop3A_187] {strides = array<i32>} : memref<64x128xf32, #tpu.memory_space<vmem>>, vector<16xf32>,
        %parallel_loop3A_189 = arith.index_cast %parallel_loop3A_152 : i32 to index
        %parallel_loop3A_190 = arith.constant 48 : index
        %parallel_loop3A_191 = tpu.vector_load %arg9[%parallel_loop3A_189, %parallel_loop3A_190] {strides = array<i32>} : memref<64x128xf32, #tpu.memory_space<vmem>>, vector<16xf32>,
        %parallel_loop3A_192 = arith.constant 0 : i32
        %parallel_loop3A_193 = vector.broadcast %parallel_loop3A_192 : i32 to vector<16xi32>
        %parallel_loop3A_194 = arith.cmpi slt, %select_n3A, %parallel_loop3A_193 : vector<16xi32>
        %parallel_loop3A_195 = arith.constant 16 : i32
        %parallel_loop3A_196 = vector.broadcast %parallel_loop3A_195 : i32 to vector<16xi32>
        %parallel_loop3A_197 = arith.addi %select_n3A, %parallel_loop3A_196 : vector<16xi32>
        %parallel_loop3A_198 = arith.select %parallel_loop3A_194, %parallel_loop3A_197, %select_n3A : vector<16xi1>, vector<16xi32>
        %parallel_loop3A_199 = vector.shape_cast %parallel_loop3A_198 : vector<16xi32> to vector<16x1xi32>
        %parallel_loop3A_200 = vector.shape_cast %parallel_loop3A_199 : vector<16x1xi32> to vector<16xi32>
        %parallel_loop3A_201 = tpu.dynamic_gather %parallel_loop3A_176[%parallel_loop3A_200] in [0] : vector<16xf32>, vector<16xi32> -> vector<16xf32>
        %parallel_loop3A_202 = arith.constant 0 : i32
        %parallel_loop3A_203 = vector.broadcast %parallel_loop3A_202 : i32 to vector<16xi32>
        %parallel_loop3A_204 = arith.cmpi slt, %broadcast_in_dim3A_3, %parallel_loop3A_203 : vector<16xi32>
        %parallel_loop3A_205 = arith.constant 16 : i32
        %parallel_loop3A_206 = vector.broadcast %parallel_loop3A_205 : i32 to vector<16xi32>
        %parallel_loop3A_207 = arith.addi %broadcast_in_dim3A_3, %parallel_loop3A_206 : vector<16xi32>
        %parallel_loop3A_208 = arith.select %parallel_loop3A_204, %parallel_loop3A_207, %broadcast_in_dim3A_3 : vector<16xi1>, vector<16xi32>
        %parallel_loop3A_209 = vector.shape_cast %parallel_loop3A_208 : vector<16xi32> to vector<16x1xi32>
        %parallel_loop3A_210 = vector.shape_cast %parallel_loop3A_209 : vector<16x1xi32> to vector<16xi32>
        %parallel_loop3A_211 = tpu.dynamic_gather %parallel_loop3A_179[%parallel_loop3A_210] in [0] : vector<16xf32>, vector<16xi32> -> vector<16xf32>
        %parallel_loop3A_212 = arith.constant 15 : i32
        %parallel_loop3A_213 = vector.broadcast %parallel_loop3A_212 : i32 to vector<16xi32>
        %parallel_loop3A_214 = arith.cmpi slt, %iota3A, %parallel_loop3A_213 : vector<16xi32>
        %parallel_loop3A_215 = arith.select %parallel_loop3A_214, %parallel_loop3A_201, %parallel_loop3A_211 : vector<16xi1>, vector<16xf32>
        %parallel_loop3A_216 = arith.index_cast %parallel_loop3A_152 : i32 to index
        %parallel_loop3A_217 = arith.constant 0 : index
        %parallel_loop3A_218 = tpu.vector_load %arg11[%parallel_loop3A_216, %parallel_loop3A_217] {strides = array<i32>} : memref<64x191xf32, #tpu.memory_space<vmem>>, vector<16xf32>,
        tpu.vector_store %arg11[%parallel_loop3A_216, %parallel_loop3A_217], %parallel_loop3A_155 {strides = array<i32>} : memref<64x191xf32, #tpu.memory_space<vmem>>, vector<16xf32>,
        %parallel_loop3A_219 = arith.index_cast %parallel_loop3A_152 : i32 to index
        %parallel_loop3A_220 = arith.constant 16 : index
        %parallel_loop3A_221 = tpu.vector_load %arg11[%parallel_loop3A_219, %parallel_loop3A_220] {strides = array<i32>} : memref<64x191xf32, #tpu.memory_space<vmem>>, vector<16xf32>,
        tpu.vector_store %arg11[%parallel_loop3A_219, %parallel_loop3A_220], %parallel_loop3A_158 {strides = array<i32>} : memref<64x191xf32, #tpu.memory_space<vmem>>, vector<16xf32>,
        %parallel_loop3A_222 = arith.index_cast %parallel_loop3A_152 : i32 to index
        %parallel_loop3A_223 = arith.constant 32 : index
        %parallel_loop3A_224 = tpu.vector_load %arg11[%parallel_loop3A_222, %parallel_loop3A_223] {strides = array<i32>} : memref<64x191xf32, #tpu.memory_space<vmem>>, vector<16xf32>,
        tpu.vector_store %arg11[%parallel_loop3A_222, %parallel_loop3A_223], %parallel_loop3A_161 {strides = array<i32>} : memref<64x191xf32, #tpu.memory_space<vmem>>, vector<16xf32>,
        %parallel_loop3A_225 = arith.index_cast %parallel_loop3A_152 : i32 to index
        %parallel_loop3A_226 = arith.constant 48 : index
        %parallel_loop3A_227 = tpu.vector_load %arg11[%parallel_loop3A_225, %parallel_loop3A_226] {strides = array<i32>} : memref<64x191xf32, #tpu.memory_space<vmem>>, vector<16xf32>,
        tpu.vector_store %arg11[%parallel_loop3A_225, %parallel_loop3A_226], %parallel_loop3A_164 {strides = array<i32>} : memref<64x191xf32, #tpu.memory_space<vmem>>, vector<16xf32>,
        %parallel_loop3A_228 = arith.index_cast %parallel_loop3A_152 : i32 to index
        %parallel_loop3A_229 = arith.constant 64 : index
        %parallel_loop3A_230 = tpu.vector_load %arg11[%parallel_loop3A_228, %parallel_loop3A_229] {strides = array<i32>} : memref<64x191xf32, #tpu.memory_space<vmem>>, vector<16xf32>,
        tpu.vector_store %arg11[%parallel_loop3A_228, %parallel_loop3A_229], %parallel_loop3A_167 {strides = array<i32>} : memref<64x191xf32, #tpu.memory_space<vmem>>, vector<16xf32>,
        %parallel_loop3A_231 = arith.index_cast %parallel_loop3A_152 : i32 to index
        %parallel_loop3A_232 = arith.constant 80 : index
        %parallel_loop3A_233 = tpu.vector_load %arg11[%parallel_loop3A_231, %parallel_loop3A_232] {strides = array<i32>} : memref<64x191xf32, #tpu.memory_space<vmem>>, vector<16xf32>,
        tpu.vector_store %arg11[%parallel_loop3A_231, %parallel_loop3A_232], %parallel_loop3A_170 {strides = array<i32>} : memref<64x191xf32, #tpu.memory_space<vmem>>, vector<16xf32>,
        %parallel_loop3A_234 = arith.index_cast %parallel_loop3A_152 : i32 to index
        %parallel_loop3A_235 = arith.constant 96 : index
        %parallel_loop3A_236 = tpu.vector_load %arg11[%parallel_loop3A_234, %parallel_loop3A_235] {strides = array<i32>} : memref<64x191xf32, #tpu.memory_space<vmem>>, vector<16xf32>,
        tpu.vector_store %arg11[%parallel_loop3A_234, %parallel_loop3A_235], %parallel_loop3A_173 {strides = array<i32>} : memref<64x191xf32, #tpu.memory_space<vmem>>, vector<16xf32>,
        %parallel_loop3A_237 = arith.index_cast %parallel_loop3A_152 : i32 to index
        %parallel_loop3A_238 = arith.constant 112 : index
        %parallel_loop3A_239 = tpu.vector_load %arg11[%parallel_loop3A_237, %parallel_loop3A_238] {strides = array<i32>} : memref<64x191xf32, #tpu.memory_space<vmem>>, vector<16xf32>,
        tpu.vector_store %arg11[%parallel_loop3A_237, %parallel_loop3A_238], %parallel_loop3A_215 {strides = array<i32>} : memref<64x191xf32, #tpu.memory_space<vmem>>, vector<16xf32>,
        %parallel_loop3A_240 = arith.index_cast %parallel_loop3A_152 : i32 to index
        %parallel_loop3A_241 = arith.constant 128 : index
        %parallel_loop3A_242 = tpu.vector_load %arg11[%parallel_loop3A_240, %parallel_loop3A_241] {strides = array<i32>} : memref<64x191xf32, #tpu.memory_space<vmem>>, vector<16xf32>,
        tpu.vector_store %arg11[%parallel_loop3A_240, %parallel_loop3A_241], %parallel_loop3A_182 {strides = array<i32>} : memref<64x191xf32, #tpu.memory_space<vmem>>, vector<16xf32>,
        %parallel_loop3A_243 = arith.index_cast %parallel_loop3A_152 : i32 to index
        %parallel_loop3A_244 = arith.constant 144 : index
        %parallel_loop3A_245 = tpu.vector_load %arg11[%parallel_loop3A_243, %parallel_loop3A_244] {strides = array<i32>} : memref<64x191xf32, #tpu.memory_space<vmem>>, vector<16xf32>,
        tpu.vector_store %arg11[%parallel_loop3A_243, %parallel_loop3A_244], %parallel_loop3A_185 {strides = array<i32>} : memref<64x191xf32, #tpu.memory_space<vmem>>, vector<16xf32>,
        %parallel_loop3A_246 = arith.index_cast %parallel_loop3A_152 : i32 to index
        %parallel_loop3A_247 = arith.constant 160 : index
        %parallel_loop3A_248 = tpu.vector_load %arg11[%parallel_loop3A_246, %parallel_loop3A_247] {strides = array<i32>} : memref<64x191xf32, #tpu.memory_space<vmem>>, vector<16xf32>,
        tpu.vector_store %arg11[%parallel_loop3A_246, %parallel_loop3A_247], %parallel_loop3A_188 {strides = array<i32>} : memref<64x191xf32, #tpu.memory_space<vmem>>, vector<16xf32>,
        %parallel_loop3A_249 = arith.index_cast %parallel_loop3A_152 : i32 to index
        %parallel_loop3A_250 = arith.constant 175 : index
        %parallel_loop3A_251 = tpu.vector_load %arg11[%parallel_loop3A_249, %parallel_loop3A_250] {strides = array<i32>} : memref<64x191xf32, #tpu.memory_space<vmem>>, vector<16xf32>,
        tpu.vector_store %arg11[%parallel_loop3A_249, %parallel_loop3A_250], %parallel_loop3A_191 {strides = array<i32>} : memref<64x191xf32, #tpu.memory_space<vmem>>, vector<16xf32>,
      } {sc.loop_unroll_factor = 4 : i64, sc.parallel_access}
      %mul3A_102 = arith.constant 64 : i32
      %mul3A_103 = arith.muli %add3A_86, %mul3A_102 : i32
      %add3A_104 = arith.addi %mul3A_2, %mul3A_103 : i32
      %dma_start3A_105 = arith.constant 0 : i32
      %dma_start3A_106 = tpu.memref_slice %arg4[%add3A_104, %dma_start3A_105] : memref<204800x191xf32, #tpu.memory_space<hbm>> -> memref<64x191xf32, #tpu.memory_space<hbm>>
      %dma_start3A_107 = arith.constant 0 : i32
      %dma_start3A_108 = tpu.memref_slice %arg4[%add3A_104, %dma_start3A_107] : memref<204800x191xf32, #tpu.memory_space<hbm>> -> memref<64x191xf32, #tpu.memory_space<hbm>>
      tpu.enqueue_dma source(%arg11 : memref<64x191xf32, #tpu.memory_space<vmem>>) target(%dma_start3A_108 : memref<64x191xf32, #tpu.memory_space<hbm>>) target_semaphore(%arg17 : memref<!tpu.dma_semaphore, #tpu.memory_space<semaphore_mem>>)
      %add3A_109 = arith.constant 2 : i32
      %add3A_110 = arith.addi %add3A_86, %add3A_109 : i32
      %lt3A_111 = arith.constant 100 : i32
      %lt3A_112 = arith.cmpi slt, %add3A_110, %lt3A_111 : i32
      %convert_element_type3A_113 = arith.extui %lt3A_112 : i1 to i32
      %cond3A_114 = arith.constant 0 : i32
      %cond3A_115 = arith.cmpi ne, %convert_element_type3A_113, %cond3A_114 : i32
      scf.if %cond3A_115 {
        %add3A_152 = arith.constant 2 : i32
        %add3A_153 = arith.addi %add3A_86, %add3A_152 : i32
        %mul3A_154 = arith.constant 64 : i32
        %mul3A_155 = arith.muli %add3A_153, %mul3A_154 : i32
        %add3A_156 = arith.addi %mul3A_2, %mul3A_155 : i32
        %dma_start3A_157 = arith.constant 0 : i32
        %dma_start3A_158 = tpu.memref_slice %arg2[%add3A_156, %dma_start3A_157] : memref<204800x128xf32, #tpu.memory_space<hbm>> -> memref<64x128xf32, #tpu.memory_space<hbm>>
        %dma_start3A_159 = arith.constant 0 : i32
        %dma_start3A_160 = tpu.memref_slice %arg2[%add3A_156, %dma_start3A_159] : memref<204800x128xf32, #tpu.memory_space<hbm>> -> memref<64x128xf32, #tpu.memory_space<hbm>>
        tpu.enqueue_dma source(%dma_start3A_160 : memref<64x128xf32, #tpu.memory_space<hbm>>) target(%arg5 : memref<64x128xf32, #tpu.memory_space<vmem>>) target_semaphore(%arg13 : memref<!tpu.dma_semaphore, #tpu.memory_space<semaphore_mem>>)
      } else {
      }
      %mul3A_116 = arith.constant 2 : i32
      %mul3A_117 = arith.muli %mul3A_116, %scan3A_82 : i32
      %add3A_118 = arith.constant 1 : i32
      %add3A_119 = arith.addi %mul3A_117, %add3A_118 : i32
      %add3A_120 = arith.constant 1 : i32
      %add3A_121 = arith.addi %add3A_119, %add3A_120 : i32
      %lt3A_122 = arith.constant 100 : i32
      %lt3A_123 = arith.cmpi slt, %add3A_121, %lt3A_122 : i32
      %convert_element_type3A_124 = arith.extui %lt3A_123 : i1 to i32
      %cond3A_125 = arith.constant 0 : i32
      %cond3A_126 = arith.cmpi ne, %convert_element_type3A_124, %cond3A_125 : i32
      scf.if %cond3A_126 {
        %add3A_152 = arith.constant 1 : i32
        %add3A_153 = arith.addi %add3A_119, %add3A_152 : i32
        %mul3A_154 = arith.constant 64 : i32
        %mul3A_155 = arith.muli %add3A_153, %mul3A_154 : i32
        %add3A_156 = arith.addi %mul3A_2, %mul3A_155 : i32
        %dma_wait3A_157 = arith.constant 0 : i32
        %dma_wait3A_158 = tpu.memref_slice %arg2[%add3A_156, %dma_wait3A_157] : memref<204800x128xf32, #tpu.memory_space<hbm>> -> memref<64x128xf32, #tpu.memory_space<hbm>>
        %dma_wait3A_159 = arith.constant 0 : i32
        %dma_wait3A_160 = tpu.memref_slice %arg2[%add3A_156, %dma_wait3A_159] : memref<204800x128xf32, #tpu.memory_space<hbm>> -> memref<64x128xf32, #tpu.memory_space<hbm>>
        tpu.wait_dma2 semaphore(%arg13 : memref<!tpu.dma_semaphore, #tpu.memory_space<semaphore_mem>>) src(%dma_wait3A_160 : memref<64x128xf32, #tpu.memory_space<hbm>>) dst(%arg5 : memref<64x128xf32, #tpu.memory_space<vmem>>)
        %add3A_161 = arith.constant 0 : i32
        %add3A_162 = vector.broadcast %add3A_161 : i32 to vector<16xi32>
        %add3A_163 = arith.addi %iota3A, %add3A_162 : vector<16xi32>
        %gather3A_164 = tpu.vector_load_idx %arg5[%add3A_163, %broadcast_in_dim3A_3] : memref<64x128xf32, #tpu.memory_space<vmem>>[vector<16xi32>, vector<16xi32>], vector<16xf32>,
        %sub3A_165 = arith.constant 1.000000e+00 : f32
        %sub3A_166 = vector.broadcast %sub3A_165 : f32 to vector<16xf32>
        %sub3A_167 = arith.subf %gather3A_164, %sub3A_166 : vector<16xf32>
        %convert_element_type3A_168 = arith.fptosi %sub3A_167 : vector<16xf32> to vector<16xi32>
        %swap3A_169 = arith.constant 0 : index
        %swap3A_170 = tpu.vector_load %arg7[%swap3A_169] {strides = array<i32>} : memref<64xi32, #tpu.memory_space<vmem>>, vector<16xi32>,
        tpu.vector_store %arg7[%swap3A_169], %convert_element_type3A_168 {strides = array<i32>} : memref<64xi32, #tpu.memory_space<vmem>>, vector<16xi32>,
        %add3A_171 = arith.constant 16 : i32
        %add3A_172 = vector.broadcast %add3A_171 : i32 to vector<16xi32>
        %add3A_173 = arith.addi %iota3A, %add3A_172 : vector<16xi32>
        %gather3A_174 = tpu.vector_load_idx %arg5[%add3A_173, %broadcast_in_dim3A_3] : memref<64x128xf32, #tpu.memory_space<vmem>>[vector<16xi32>, vector<16xi32>], vector<16xf32>,
        %sub3A_175 = arith.constant 1.000000e+00 : f32
        %sub3A_176 = vector.broadcast %sub3A_175 : f32 to vector<16xf32>
        %sub3A_177 = arith.subf %gather3A_174, %sub3A_176 : vector<16xf32>
        %convert_element_type3A_178 = arith.fptosi %sub3A_177 : vector<16xf32> to vector<16xi32>
        %swap3A_179 = arith.constant 16 : index
        %swap3A_180 = tpu.vector_load %arg7[%swap3A_179] {strides = array<i32>} : memref<64xi32, #tpu.memory_space<vmem>>, vector<16xi32>,
        tpu.vector_store %arg7[%swap3A_179], %convert_element_type3A_178 {strides = array<i32>} : memref<64xi32, #tpu.memory_space<vmem>>, vector<16xi32>,
        %add3A_181 = arith.constant 32 : i32
        %add3A_182 = vector.broadcast %add3A_181 : i32 to vector<16xi32>
        %add3A_183 = arith.addi %iota3A, %add3A_182 : vector<16xi32>
        %gather3A_184 = tpu.vector_load_idx %arg5[%add3A_183, %broadcast_in_dim3A_3] : memref<64x128xf32, #tpu.memory_space<vmem>>[vector<16xi32>, vector<16xi32>], vector<16xf32>,
        %sub3A_185 = arith.constant 1.000000e+00 : f32
        %sub3A_186 = vector.broadcast %sub3A_185 : f32 to vector<16xf32>
        %sub3A_187 = arith.subf %gather3A_184, %sub3A_186 : vector<16xf32>
        %convert_element_type3A_188 = arith.fptosi %sub3A_187 : vector<16xf32> to vector<16xi32>
        %swap3A_189 = arith.constant 32 : index
        %swap3A_190 = tpu.vector_load %arg7[%swap3A_189] {strides = array<i32>} : memref<64xi32, #tpu.memory_space<vmem>>, vector<16xi32>,
        tpu.vector_store %arg7[%swap3A_189], %convert_element_type3A_188 {strides = array<i32>} : memref<64xi32, #tpu.memory_space<vmem>>, vector<16xi32>,
        %add3A_191 = arith.constant 48 : i32
        %add3A_192 = vector.broadcast %add3A_191 : i32 to vector<16xi32>
        %add3A_193 = arith.addi %iota3A, %add3A_192 : vector<16xi32>
        %gather3A_194 = tpu.vector_load_idx %arg5[%add3A_193, %broadcast_in_dim3A_3] : memref<64x128xf32, #tpu.memory_space<vmem>>[vector<16xi32>, vector<16xi32>], vector<16xf32>,
        %sub3A_195 = arith.constant 1.000000e+00 : f32
        %sub3A_196 = vector.broadcast %sub3A_195 : f32 to vector<16xf32>
        %sub3A_197 = arith.subf %gather3A_194, %sub3A_196 : vector<16xf32>
        %convert_element_type3A_198 = arith.fptosi %sub3A_197 : vector<16xf32> to vector<16xi32>
        %swap3A_199 = arith.constant 48 : index
        %swap3A_200 = tpu.vector_load %arg7[%swap3A_199] {strides = array<i32>} : memref<64xi32, #tpu.memory_space<vmem>>, vector<16xi32>,
        tpu.vector_store %arg7[%swap3A_199], %convert_element_type3A_198 {strides = array<i32>} : memref<64xi32, #tpu.memory_space<vmem>>, vector<16xi32>,
        %dma_start3A_201 = arith.constant 0 : i32
        %dma_start3A_202 = arith.constant 0 : i32
        %dma_start3A_203 = tpu.memref_slice %arg3[%dma_start3A_201, %dma_start3A_202] : memref<100000x128xf32, #tpu.memory_space<hbm>> -> memref<100000x128xf32, #tpu.memory_space<hbm>>
        tpu.enqueue_indirect_dma source(%dma_start3A_203 : memref<100000x128xf32, #tpu.memory_space<hbm>>) target(%arg9 : memref<64x128xf32, #tpu.memory_space<vmem>>) offsets(%arg7 : memref<64xi32, #tpu.memory_space<vmem>>) semaphore(%arg15 : memref<!tpu.dma_semaphore, #tpu.memory_space<semaphore_mem>>)
      } else {
      }
      %dma_wait3A_127 = arith.constant 0 : i32
      %dma_wait3A_128 = arith.constant 0 : i32
      %dma_wait3A_129 = tpu.memref_slice %arg3[%dma_wait3A_127, %dma_wait3A_128] : memref<100000x128xf32, #tpu.memory_space<hbm>> -> memref<100000x128xf32, #tpu.memory_space<hbm>>
      tpu.wait_indirect_dma semaphore(%arg16 : memref<!tpu.dma_semaphore, #tpu.memory_space<semaphore_mem>>) src(%dma_wait3A_129 : memref<100000x128xf32, #tpu.memory_space<hbm>>) dst(%arg10 : memref<64x128xf32, #tpu.memory_space<vmem>>)
      %ge3A_130 = arith.constant 2 : i32
      %ge3A_131 = arith.cmpi sge, %add3A_119, %ge3A_130 : i32
      %convert_element_type3A_132 = arith.extui %ge3A_131 : i1 to i32
      %cond3A_133 = arith.constant 0 : i32
      %cond3A_134 = arith.cmpi ne, %convert_element_type3A_132, %cond3A_133 : i32
      scf.if %cond3A_134 {
        %sub3A_152 = arith.constant 2 : i32
        %sub3A_153 = arith.subi %add3A_119, %sub3A_152 : i32
        %mul3A_154 = arith.constant 64 : i32
        %mul3A_155 = arith.muli %sub3A_153, %mul3A_154 : i32
        %add3A_156 = arith.addi %mul3A_2, %mul3A_155 : i32
        %dma_wait3A_157 = arith.constant 0 : i32
        %dma_wait3A_158 = tpu.memref_slice %arg4[%add3A_156, %dma_wait3A_157] : memref<204800x191xf32, #tpu.memory_space<hbm>> -> memref<64x191xf32, #tpu.memory_space<hbm>>
        %dma_wait3A_159 = arith.constant 0 : i32
        %dma_wait3A_160 = tpu.memref_slice %arg4[%add3A_156, %dma_wait3A_159] : memref<204800x191xf32, #tpu.memory_space<hbm>> -> memref<64x191xf32, #tpu.memory_space<hbm>>
        tpu.wait_dma2 semaphore(%arg18 : memref<!tpu.dma_semaphore, #tpu.memory_space<semaphore_mem>>) src(%arg12 : memref<64x191xf32, #tpu.memory_space<vmem>>) dst(%dma_wait3A_160 : memref<64x191xf32, #tpu.memory_space<hbm>>)
      } else {
      }
      %parallel_loop3A_135 = arith.constant 0 : i32
      %parallel_loop3A_136 = arith.constant 64 : i32
      %parallel_loop3A_137 = arith.constant 1 : i32
      scf.for %parallel_loop3A_152 = %parallel_loop3A_135 to %parallel_loop3A_136 step %parallel_loop3A_137  : i32 {
        %parallel_loop3A_153 = arith.index_cast %parallel_loop3A_152 : i32 to index
        %parallel_loop3A_154 = arith.constant 1 : index
        %parallel_loop3A_155 = tpu.vector_load %arg6[%parallel_loop3A_153, %parallel_loop3A_154] {strides = array<i32>} : memref<64x128xf32, #tpu.memory_space<vmem>>, vector<16xf32>,
        %parallel_loop3A_156 = arith.index_cast %parallel_loop3A_152 : i32 to index
        %parallel_loop3A_157 = arith.constant 17 : index
        %parallel_loop3A_158 = tpu.vector_load %arg6[%parallel_loop3A_156, %parallel_loop3A_157] {strides = array<i32>} : memref<64x128xf32, #tpu.memory_space<vmem>>, vector<16xf32>,
        %parallel_loop3A_159 = arith.index_cast %parallel_loop3A_152 : i32 to index
        %parallel_loop3A_160 = arith.constant 33 : index
        %parallel_loop3A_161 = tpu.vector_load %arg6[%parallel_loop3A_159, %parallel_loop3A_160] {strides = array<i32>} : memref<64x128xf32, #tpu.memory_space<vmem>>, vector<16xf32>,
        %parallel_loop3A_162 = arith.index_cast %parallel_loop3A_152 : i32 to index
        %parallel_loop3A_163 = arith.constant 49 : index
        %parallel_loop3A_164 = tpu.vector_load %arg6[%parallel_loop3A_162, %parallel_loop3A_163] {strides = array<i32>} : memref<64x128xf32, #tpu.memory_space<vmem>>, vector<16xf32>,
        %parallel_loop3A_165 = arith.index_cast %parallel_loop3A_152 : i32 to index
        %parallel_loop3A_166 = arith.constant 65 : index
        %parallel_loop3A_167 = tpu.vector_load %arg6[%parallel_loop3A_165, %parallel_loop3A_166] {strides = array<i32>} : memref<64x128xf32, #tpu.memory_space<vmem>>, vector<16xf32>,
        %parallel_loop3A_168 = arith.index_cast %parallel_loop3A_152 : i32 to index
        %parallel_loop3A_169 = arith.constant 81 : index
        %parallel_loop3A_170 = tpu.vector_load %arg6[%parallel_loop3A_168, %parallel_loop3A_169] {strides = array<i32>} : memref<64x128xf32, #tpu.memory_space<vmem>>, vector<16xf32>,
        %parallel_loop3A_171 = arith.index_cast %parallel_loop3A_152 : i32 to index
        %parallel_loop3A_172 = arith.constant 97 : index
        %parallel_loop3A_173 = tpu.vector_load %arg6[%parallel_loop3A_171, %parallel_loop3A_172] {strides = array<i32>} : memref<64x128xf32, #tpu.memory_space<vmem>>, vector<16xf32>,
        %parallel_loop3A_174 = arith.index_cast %parallel_loop3A_152 : i32 to index
        %parallel_loop3A_175 = arith.constant 112 : index
        %parallel_loop3A_176 = tpu.vector_load %arg6[%parallel_loop3A_174, %parallel_loop3A_175] {strides = array<i32>} : memref<64x128xf32, #tpu.memory_space<vmem>>, vector<16xf32>,
        %parallel_loop3A_177 = arith.index_cast %parallel_loop3A_152 : i32 to index
        %parallel_loop3A_178 = arith.constant 0 : index
        %parallel_loop3A_179 = tpu.vector_load %arg10[%parallel_loop3A_177, %parallel_loop3A_178] {strides = array<i32>} : memref<64x128xf32, #tpu.memory_space<vmem>>, vector<16xf32>,
        %parallel_loop3A_180 = arith.index_cast %parallel_loop3A_152 : i32 to index
        %parallel_loop3A_181 = arith.constant 1 : index
        %parallel_loop3A_182 = tpu.vector_load %arg10[%parallel_loop3A_180, %parallel_loop3A_181] {strides = array<i32>} : memref<64x128xf32, #tpu.memory_space<vmem>>, vector<16xf32>,
        %parallel_loop3A_183 = arith.index_cast %parallel_loop3A_152 : i32 to index
        %parallel_loop3A_184 = arith.constant 17 : index
        %parallel_loop3A_185 = tpu.vector_load %arg10[%parallel_loop3A_183, %parallel_loop3A_184] {strides = array<i32>} : memref<64x128xf32, #tpu.memory_space<vmem>>, vector<16xf32>,
        %parallel_loop3A_186 = arith.index_cast %parallel_loop3A_152 : i32 to index
        %parallel_loop3A_187 = arith.constant 33 : index
        %parallel_loop3A_188 = tpu.vector_load %arg10[%parallel_loop3A_186, %parallel_loop3A_187] {strides = array<i32>} : memref<64x128xf32, #tpu.memory_space<vmem>>, vector<16xf32>,
        %parallel_loop3A_189 = arith.index_cast %parallel_loop3A_152 : i32 to index
        %parallel_loop3A_190 = arith.constant 48 : index
        %parallel_loop3A_191 = tpu.vector_load %arg10[%parallel_loop3A_189, %parallel_loop3A_190] {strides = array<i32>} : memref<64x128xf32, #tpu.memory_space<vmem>>, vector<16xf32>,
        %parallel_loop3A_192 = arith.constant 0 : i32
        %parallel_loop3A_193 = vector.broadcast %parallel_loop3A_192 : i32 to vector<16xi32>
        %parallel_loop3A_194 = arith.cmpi slt, %select_n3A, %parallel_loop3A_193 : vector<16xi32>
        %parallel_loop3A_195 = arith.constant 16 : i32
        %parallel_loop3A_196 = vector.broadcast %parallel_loop3A_195 : i32 to vector<16xi32>
        %parallel_loop3A_197 = arith.addi %select_n3A, %parallel_loop3A_196 : vector<16xi32>
        %parallel_loop3A_198 = arith.select %parallel_loop3A_194, %parallel_loop3A_197, %select_n3A : vector<16xi1>, vector<16xi32>
        %parallel_loop3A_199 = vector.shape_cast %parallel_loop3A_198 : vector<16xi32> to vector<16x1xi32>
        %parallel_loop3A_200 = vector.shape_cast %parallel_loop3A_199 : vector<16x1xi32> to vector<16xi32>
        %parallel_loop3A_201 = tpu.dynamic_gather %parallel_loop3A_176[%parallel_loop3A_200] in [0] : vector<16xf32>, vector<16xi32> -> vector<16xf32>
        %parallel_loop3A_202 = arith.constant 0 : i32
        %parallel_loop3A_203 = vector.broadcast %parallel_loop3A_202 : i32 to vector<16xi32>
        %parallel_loop3A_204 = arith.cmpi slt, %broadcast_in_dim3A_3, %parallel_loop3A_203 : vector<16xi32>
        %parallel_loop3A_205 = arith.constant 16 : i32
        %parallel_loop3A_206 = vector.broadcast %parallel_loop3A_205 : i32 to vector<16xi32>
        %parallel_loop3A_207 = arith.addi %broadcast_in_dim3A_3, %parallel_loop3A_206 : vector<16xi32>
        %parallel_loop3A_208 = arith.select %parallel_loop3A_204, %parallel_loop3A_207, %broadcast_in_dim3A_3 : vector<16xi1>, vector<16xi32>
        %parallel_loop3A_209 = vector.shape_cast %parallel_loop3A_208 : vector<16xi32> to vector<16x1xi32>
        %parallel_loop3A_210 = vector.shape_cast %parallel_loop3A_209 : vector<16x1xi32> to vector<16xi32>
        %parallel_loop3A_211 = tpu.dynamic_gather %parallel_loop3A_179[%parallel_loop3A_210] in [0] : vector<16xf32>, vector<16xi32> -> vector<16xf32>
        %parallel_loop3A_212 = arith.constant 15 : i32
        %parallel_loop3A_213 = vector.broadcast %parallel_loop3A_212 : i32 to vector<16xi32>
        %parallel_loop3A_214 = arith.cmpi slt, %iota3A, %parallel_loop3A_213 : vector<16xi32>
        %parallel_loop3A_215 = arith.select %parallel_loop3A_214, %parallel_loop3A_201, %parallel_loop3A_211 : vector<16xi1>, vector<16xf32>
        %parallel_loop3A_216 = arith.index_cast %parallel_loop3A_152 : i32 to index
        %parallel_loop3A_217 = arith.constant 0 : index
        %parallel_loop3A_218 = tpu.vector_load %arg12[%parallel_loop3A_216, %parallel_loop3A_217] {strides = array<i32>} : memref<64x191xf32, #tpu.memory_space<vmem>>, vector<16xf32>,
        tpu.vector_store %arg12[%parallel_loop3A_216, %parallel_loop3A_217], %parallel_loop3A_155 {strides = array<i32>} : memref<64x191xf32, #tpu.memory_space<vmem>>, vector<16xf32>,
        %parallel_loop3A_219 = arith.index_cast %parallel_loop3A_152 : i32 to index
        %parallel_loop3A_220 = arith.constant 16 : index
        %parallel_loop3A_221 = tpu.vector_load %arg12[%parallel_loop3A_219, %parallel_loop3A_220] {strides = array<i32>} : memref<64x191xf32, #tpu.memory_space<vmem>>, vector<16xf32>,
        tpu.vector_store %arg12[%parallel_loop3A_219, %parallel_loop3A_220], %parallel_loop3A_158 {strides = array<i32>} : memref<64x191xf32, #tpu.memory_space<vmem>>, vector<16xf32>,
        %parallel_loop3A_222 = arith.index_cast %parallel_loop3A_152 : i32 to index
        %parallel_loop3A_223 = arith.constant 32 : index
        %parallel_loop3A_224 = tpu.vector_load %arg12[%parallel_loop3A_222, %parallel_loop3A_223] {strides = array<i32>} : memref<64x191xf32, #tpu.memory_space<vmem>>, vector<16xf32>,
        tpu.vector_store %arg12[%parallel_loop3A_222, %parallel_loop3A_223], %parallel_loop3A_161 {strides = array<i32>} : memref<64x191xf32, #tpu.memory_space<vmem>>, vector<16xf32>,
        %parallel_loop3A_225 = arith.index_cast %parallel_loop3A_152 : i32 to index
        %parallel_loop3A_226 = arith.constant 48 : index
        %parallel_loop3A_227 = tpu.vector_load %arg12[%parallel_loop3A_225, %parallel_loop3A_226] {strides = array<i32>} : memref<64x191xf32, #tpu.memory_space<vmem>>, vector<16xf32>,
        tpu.vector_store %arg12[%parallel_loop3A_225, %parallel_loop3A_226], %parallel_loop3A_164 {strides = array<i32>} : memref<64x191xf32, #tpu.memory_space<vmem>>, vector<16xf32>,
        %parallel_loop3A_228 = arith.index_cast %parallel_loop3A_152 : i32 to index
        %parallel_loop3A_229 = arith.constant 64 : index
        %parallel_loop3A_230 = tpu.vector_load %arg12[%parallel_loop3A_228, %parallel_loop3A_229] {strides = array<i32>} : memref<64x191xf32, #tpu.memory_space<vmem>>, vector<16xf32>,
        tpu.vector_store %arg12[%parallel_loop3A_228, %parallel_loop3A_229], %parallel_loop3A_167 {strides = array<i32>} : memref<64x191xf32, #tpu.memory_space<vmem>>, vector<16xf32>,
        %parallel_loop3A_231 = arith.index_cast %parallel_loop3A_152 : i32 to index
        %parallel_loop3A_232 = arith.constant 80 : index
        %parallel_loop3A_233 = tpu.vector_load %arg12[%parallel_loop3A_231, %parallel_loop3A_232] {strides = array<i32>} : memref<64x191xf32, #tpu.memory_space<vmem>>, vector<16xf32>,
        tpu.vector_store %arg12[%parallel_loop3A_231, %parallel_loop3A_232], %parallel_loop3A_170 {strides = array<i32>} : memref<64x191xf32, #tpu.memory_space<vmem>>, vector<16xf32>,
        %parallel_loop3A_234 = arith.index_cast %parallel_loop3A_152 : i32 to index
        %parallel_loop3A_235 = arith.constant 96 : index
        %parallel_loop3A_236 = tpu.vector_load %arg12[%parallel_loop3A_234, %parallel_loop3A_235] {strides = array<i32>} : memref<64x191xf32, #tpu.memory_space<vmem>>, vector<16xf32>,
        tpu.vector_store %arg12[%parallel_loop3A_234, %parallel_loop3A_235], %parallel_loop3A_173 {strides = array<i32>} : memref<64x191xf32, #tpu.memory_space<vmem>>, vector<16xf32>,
        %parallel_loop3A_237 = arith.index_cast %parallel_loop3A_152 : i32 to index
        %parallel_loop3A_238 = arith.constant 112 : index
        %parallel_loop3A_239 = tpu.vector_load %arg12[%parallel_loop3A_237, %parallel_loop3A_238] {strides = array<i32>} : memref<64x191xf32, #tpu.memory_space<vmem>>, vector<16xf32>,
        tpu.vector_store %arg12[%parallel_loop3A_237, %parallel_loop3A_238], %parallel_loop3A_215 {strides = array<i32>} : memref<64x191xf32, #tpu.memory_space<vmem>>, vector<16xf32>,
        %parallel_loop3A_240 = arith.index_cast %parallel_loop3A_152 : i32 to index
        %parallel_loop3A_241 = arith.constant 128 : index
        %parallel_loop3A_242 = tpu.vector_load %arg12[%parallel_loop3A_240, %parallel_loop3A_241] {strides = array<i32>} : memref<64x191xf32, #tpu.memory_space<vmem>>, vector<16xf32>,
        tpu.vector_store %arg12[%parallel_loop3A_240, %parallel_loop3A_241], %parallel_loop3A_182 {strides = array<i32>} : memref<64x191xf32, #tpu.memory_space<vmem>>, vector<16xf32>,
        %parallel_loop3A_243 = arith.index_cast %parallel_loop3A_152 : i32 to index
        %parallel_loop3A_244 = arith.constant 144 : index
        %parallel_loop3A_245 = tpu.vector_load %arg12[%parallel_loop3A_243, %parallel_loop3A_244] {strides = array<i32>} : memref<64x191xf32, #tpu.memory_space<vmem>>, vector<16xf32>,
        tpu.vector_store %arg12[%parallel_loop3A_243, %parallel_loop3A_244], %parallel_loop3A_185 {strides = array<i32>} : memref<64x191xf32, #tpu.memory_space<vmem>>, vector<16xf32>,
        %parallel_loop3A_246 = arith.index_cast %parallel_loop3A_152 : i32 to index
        %parallel_loop3A_247 = arith.constant 160 : index
        %parallel_loop3A_248 = tpu.vector_load %arg12[%parallel_loop3A_246, %parallel_loop3A_247] {strides = array<i32>} : memref<64x191xf32, #tpu.memory_space<vmem>>, vector<16xf32>,
        tpu.vector_store %arg12[%parallel_loop3A_246, %parallel_loop3A_247], %parallel_loop3A_188 {strides = array<i32>} : memref<64x191xf32, #tpu.memory_space<vmem>>, vector<16xf32>,
        %parallel_loop3A_249 = arith.index_cast %parallel_loop3A_152 : i32 to index
        %parallel_loop3A_250 = arith.constant 175 : index
        %parallel_loop3A_251 = tpu.vector_load %arg12[%parallel_loop3A_249, %parallel_loop3A_250] {strides = array<i32>} : memref<64x191xf32, #tpu.memory_space<vmem>>, vector<16xf32>,
        tpu.vector_store %arg12[%parallel_loop3A_249, %parallel_loop3A_250], %parallel_loop3A_191 {strides = array<i32>} : memref<64x191xf32, #tpu.memory_space<vmem>>, vector<16xf32>,
      } {sc.loop_unroll_factor = 4 : i64, sc.parallel_access}
      %mul3A_138 = arith.constant 64 : i32
      %mul3A_139 = arith.muli %add3A_119, %mul3A_138 : i32
      %add3A_140 = arith.addi %mul3A_2, %mul3A_139 : i32
      %dma_start3A_141 = arith.constant 0 : i32
      %dma_start3A_142 = tpu.memref_slice %arg4[%add3A_140, %dma_start3A_141] : memref<204800x191xf32, #tpu.memory_space<hbm>> -> memref<64x191xf32, #tpu.memory_space<hbm>>
      %dma_start3A_143 = arith.constant 0 : i32
      %dma_start3A_144 = tpu.memref_slice %arg4[%add3A_140, %dma_start3A_143] : memref<204800x191xf32, #tpu.memory_space<hbm>> -> memref<64x191xf32, #tpu.memory_space<hbm>>
      tpu.enqueue_dma source(%arg12 : memref<64x191xf32, #tpu.memory_space<vmem>>) target(%dma_start3A_144 : memref<64x191xf32, #tpu.memory_space<hbm>>) target_semaphore(%arg18 : memref<!tpu.dma_semaphore, #tpu.memory_space<semaphore_mem>>)
      %add3A_145 = arith.constant 2 : i32
      %add3A_146 = arith.addi %add3A_119, %add3A_145 : i32
      %lt3A_147 = arith.constant 100 : i32
      %lt3A_148 = arith.cmpi slt, %add3A_146, %lt3A_147 : i32
      %convert_element_type3A_149 = arith.extui %lt3A_148 : i1 to i32
      %cond3A_150 = arith.constant 0 : i32
      %cond3A_151 = arith.cmpi ne, %convert_element_type3A_149, %cond3A_150 : i32
      scf.if %cond3A_151 {
        %add3A_152 = arith.constant 2 : i32
        %add3A_153 = arith.addi %add3A_119, %add3A_152 : i32
        %mul3A_154 = arith.constant 64 : i32
        %mul3A_155 = arith.muli %add3A_153, %mul3A_154 : i32
        %add3A_156 = arith.addi %mul3A_2, %mul3A_155 : i32
        %dma_start3A_157 = arith.constant 0 : i32
        %dma_start3A_158 = tpu.memref_slice %arg2[%add3A_156, %dma_start3A_157] : memref<204800x128xf32, #tpu.memory_space<hbm>> -> memref<64x128xf32, #tpu.memory_space<hbm>>
        %dma_start3A_159 = arith.constant 0 : i32
        %dma_start3A_160 = tpu.memref_slice %arg2[%add3A_156, %dma_start3A_159] : memref<204800x128xf32, #tpu.memory_space<hbm>> -> memref<64x128xf32, #tpu.memory_space<hbm>>
        tpu.enqueue_dma source(%dma_start3A_160 : memref<64x128xf32, #tpu.memory_space<hbm>>) target(%arg6 : memref<64x128xf32, #tpu.memory_space<vmem>>) target_semaphore(%arg14 : memref<!tpu.dma_semaphore, #tpu.memory_space<semaphore_mem>>)
      } else {
      }
    }
    %scan3A_69 = arith.constant 50 : i32
    %add3A_70 = arith.constant 6272 : i32
    %add3A_71 = arith.addi %mul3A_2, %add3A_70 : i32
    %dma_wait3A_72 = arith.constant 0 : i32
    %dma_wait3A_73 = tpu.memref_slice %arg4[%add3A_71, %dma_wait3A_72] : memref<204800x191xf32, #tpu.memory_space<hbm>> -> memref<64x191xf32, #tpu.memory_space<hbm>>
    %dma_wait3A_74 = arith.constant 0 : i32
    %dma_wait3A_75 = tpu.memref_slice %arg4[%add3A_71, %dma_wait3A_74] : memref<204800x191xf32, #tpu.memory_space<hbm>> -> memref<64x191xf32, #tpu.memory_space<hbm>>
    tpu.wait_dma2 semaphore(%arg17 : memref<!tpu.dma_semaphore, #tpu.memory_space<semaphore_mem>>) src(%arg11 : memref<64x191xf32, #tpu.memory_space<vmem>>) dst(%dma_wait3A_75 : memref<64x191xf32, #tpu.memory_space<hbm>>)
    %add3A_76 = arith.constant 6336 : i32
    %add3A_77 = arith.addi %mul3A_2, %add3A_76 : i32
    %dma_wait3A_78 = arith.constant 0 : i32
    %dma_wait3A_79 = tpu.memref_slice %arg4[%add3A_77, %dma_wait3A_78] : memref<204800x191xf32, #tpu.memory_space<hbm>> -> memref<64x191xf32, #tpu.memory_space<hbm>>
    %dma_wait3A_80 = arith.constant 0 : i32
    %dma_wait3A_81 = tpu.memref_slice %arg4[%add3A_77, %dma_wait3A_80] : memref<204800x191xf32, #tpu.memory_space<hbm>> -> memref<64x191xf32, #tpu.memory_space<hbm>>
    tpu.wait_dma2 semaphore(%arg18 : memref<!tpu.dma_semaphore, #tpu.memory_space<semaphore_mem>>) src(%arg12 : memref<64x191xf32, #tpu.memory_space<vmem>>) dst(%dma_wait3A_81 : memref<64x191xf32, #tpu.memory_space<hbm>>)
    return
  }
}

</mosaic_0001>

<sc_bundles>
// kernel: _run.3.cloned.1.call-start
scs
__scs_entry_jumppad:
0x0: {  	(pc) =	sbr.rel $0x88, $3  }
0x1: {  	(tag) =	ssettag $0x0;
	lr =	simm.s32 $0x1  }
0x2: {  	[smem:$0x3F9F] =	sst lr;
	_ =	strace $0xD0000000  }
0x3: {  	_ = 	snop  }
0x4: {  	_ = 	snop  }
0x5: {  	_ = 	snop  }
0x6: {  	_ = 	snop  }
0x7: {  	_ = 	snop  }
__scs_overlays_trampoline_lowered:
0x8: {  	[smem:$0x3FAE] =	sst s0  }
0x9: {  	[smem:$0x3FAF] =	sst s1  }
0xa: {  	[smem:$0x3FB0] =	sst s2  }
0xb: {  	[smem:$0x3FB1] =	sst s3  }
0xc: {  	[smem:$0x3FB2] =	sst s4  }
0xd: {  	[smem:$0x3FB3] =	sst s5  }
0xe: {  	[smem:$0x3FB4] =	sst s6  }
0xf: {  	[smem:$0x3FB5] =	sst s7  }
0x10: {  	[smem:$0x3FB6] =	sst s8  }
0x11: {  	[smem:$0x3FB7] =	sst s9;
	s0 =	simm.s32 @!p0 $0x0  }
0x12: {  	s1 =	sld [smem:$0x3F9D];
	s0 =	simm.s32 @p0 $0x1  }
0x13: {  	[smem:$0x3FB8] =	sst s0;
	s0 =	simm.s32 @!p1 $0x0  }
0x14: {  	s2 =	sld [smem:$0x3F9C];
	s0 =	simm.s32 @p1 $0x1  }
0x15: {  	[smem:$0x3FB9] =	sst s0;
	s0 =	simm.s32 @!p2 $0x0  }
0x16: {  	s3 =	sld [smem:$0x3FDB];
	s0 =	simm.s32 @p2 $0x1  }
0x17: {  	s4 =	simm.s32 $0x1BF5;
	[smem:$0x3FBB] =	sst s0  }
0x18: {  	s0 =	sld [smem:$0x3F9E];
	_ =	swait.ge [sflag:s4], $0x0  }
0x19: {  	s7 =	sld [smem:$0x3F9F]  }
0x1a: {  	s8 =	sadd.s32 $0xFFFFE003, lr  }
0x1b: {  	s9 =	sadd.s32 $0xFFFFFEF7, lr;
	s5 =	simm.s32 $0xFFFFFFFF;
	p2 =	slt.u32 s8, $0xFFFFF086  }
0x1c: {  	p1 =	slt.u32 s9, $0xF7A;
	s5 =	simm.s32 @!p2 $0x0  }
0x1d: {  	s5 =	simm.s32 @p1 $0x1;
	p0 =	seq.s32 s7, s2  }
0x1e: {  	s7 =	smul.u32 @!p0 $0xF7A, s2;
	p2 =	seq.s32 @!p0 s5, $0x0  }
0x1f: {  	s9 =	smul.u32 $0xF7A, s1;
	s8 =	simm.s32 @!p0 $0x1BF5;
	p2 =	por !p2, p0  }
0x20: {  	[sflag:s8] =	ssyncset.s32 @!p0 $0xFFFFF086;
	s6 =	sadd.s32 @!p0 s3, s7;
	s7 =	simm.s32 @!p0 $0x108  }
0x21: {  	s3 =	sadd.s32 s3, s9;
	s6 =	sadd.s32 @!p0 $0x88, s6;
	s7 =	simm.s32 @p2 $0x1082  }
0x22: {  	[simem:s7], [sflag:s8] =	dma.local @!p0 [hbm:s6], $0xF7A  }
0x23: {  	s9 =	sor.u32 $0xD0000000, s2;
	s6 =	simm.s32 $0x108;
	_ =	swait.ge @!p0 [sflag:s8], $0x0  }
0x24: {  	s3 =	sadd.s32 $0x88, s3;
	s6 =	simm.s32 @!p1 $0x1082;
	[sflag:s4] =	ssyncset.s32 $0xFFFFF086  }
0x25: {  	[simem:s6], [sflag:s4] =	dma.local [hbm:s3], $0xF7A  }
0x26: {  	[smem:$0x3F9F] =	sst s1;
	(tag) =	ssettag s2;
	_ =	strace s9  }
0x27: {  	s1 =	sld [smem:$0x3FAF]  }
0x28: {  	s2 =	sld [smem:$0x3FB0]  }
0x29: {  	s4 =	sld [smem:$0x3FB2]  }
0x2a: {  	p0 =	seq.s32 s5, $0x0;
	s5 =	sld [smem:$0x3FB3]  }
0x2b: {  	s6 =	sld [smem:$0x3FB4]  }
0x2c: {  	s7 =	sld [smem:$0x3FB5]  }
0x2d: {  	s3 =	simm.s32 $0x108;
	s8 =	sld [smem:$0x3FB6]  }
0x2e: {  	s3 =	simm.s32 @!p0 $0x1082;
	s9 =	sld [smem:$0x3FB7]  }
0x2f: {  	lr =	sadd.s32 s0, s3;
	s0 =	sld [smem:$0x3FAE]  }
0x30: {  	s3 =	sld [smem:$0x3FB1]  }
0x31: {  	[smem:$0x3FBA] =	sst s10  }
0x32: {  	s10 =	sld [smem:$0x3FB8];
	_ =	sdelay $0x3  }
0x33: {  	p0 =	seq.s32 s10, $0x1;
	s10 =	sld [smem:$0x3FBA];
	_ =	sdelay $0x3  }
0x34: {  	[smem:$0x3FBA] =	sst s10  }
0x35: {  	s10 =	sld [smem:$0x3FB9];
	_ =	sdelay $0x3  }
0x36: {  	p1 =	seq.s32 s10, $0x1;
	s10 =	sld [smem:$0x3FBA];
	_ =	sdelay $0x3  }
0x37: {  	[smem:$0x3FBA] =	sst s10  }
0x38: {  	s10 =	sld [smem:$0x3FBB]  }
0x39: {  	_ = 	snop;
	(pc) =	sbr.ind lr, $3  }
0x3a: {  	_ = 	snop  }
0x3b: {  	_ = 	snop  }
0x3c: {  	p2 =	seq.s32 s10, $0x1;
	s10 =	sld [smem:$0x3FBA]  }
0x3d: {  	_ =	shalt  }
0x3e: {  	_ =	shalt  }
0x3f: {  	_ =	shalt  }
0x40: {  	_ =	shalt  }
0x41: {  	_ =	shalt  }
0x42: {  	_ =	shalt  }
0x43: {  	_ =	shalt  }
0x44: {  	_ =	shalt  }
0x45: {  	_ =	shalt  }
0x46: {  	_ =	shalt  }
0x47: {  	_ =	shalt  }
0x48: {  	_ =	shalt  }
0x49: {  	_ =	shalt  }
0x4a: {  	_ =	shalt  }
0x4b: {  	_ =	shalt  }
0x4c: {  	_ =	shalt  }
0x4d: {  	_ =	shalt  }
0x4e: {  	_ =	shalt  }
0x4f: {  	_ =	shalt  }
0x50: {  	_ =	shalt  }
0x51: {  	_ =	shalt  }
0x52: {  	_ =	shalt  }
0x53: {  	_ =	shalt  }
0x54: {  	_ =	shalt  }
0x55: {  	_ =	shalt  }
0x56: {  	_ =	shalt  }
0x57: {  	_ =	shalt  }
0x58: {  	_ =	shalt  }
0x59: {  	_ =	shalt  }
0x5a: {  	_ =	shalt  }
0x5b: {  	_ =	shalt  }
0x5c: {  	_ =	shalt  }
0x5d: {  	_ =	shalt  }
0x5e: {  	_ =	shalt  }
0x5f: {  	_ =	shalt  }
0x60: {  	_ =	shalt  }
0x61: {  	_ =	shalt  }
0x62: {  	_ =	shalt  }
0x63: {  	_ =	shalt  }
0x64: {  	_ =	shalt  }
0x65: {  	_ =	shalt  }
0x66: {  	_ =	shalt  }
0x67: {  	_ =	shalt  }
0x68: {  	_ =	shalt  }
0x69: {  	_ =	shalt  }
0x6a: {  	_ =	shalt  }
0x6b: {  	_ =	shalt  }
0x6c: {  	_ =	shalt  }
0x6d: {  	_ =	shalt  }
0x6e: {  	_ =	shalt  }
0x6f: {  	_ =	shalt  }
0x70: {  	_ =	shalt  }
0x71: {  	_ =	shalt  }
0x72: {  	_ =	shalt  }
0x73: {  	_ =	shalt  }
0x74: {  	_ =	shalt  }
0x75: {  	_ =	shalt  }
0x76: {  	_ =	shalt  }
0x77: {  	_ =	shalt  }
0x78: {  	_ =	shalt  }
0x79: {  	_ =	shalt  }
0x7a: {  	_ =	shalt  }
0x7b: {  	_ =	shalt  }
0x7c: {  	_ =	shalt  }
0x7d: {  	_ =	shalt  }
0x7e: {  	_ =	shalt  }
0x7f: {  	_ =	shalt  }
0x80: {  	_ =	shalt  }
0x81: {  	_ =	shalt  }
0x82: {  	_ =	shalt  }
0x83: {  	_ =	shalt  }
0x84: {  	_ =	shalt  }
0x85: {  	_ =	shalt  }
0x86: {  	_ =	shalt  }
0x87: {  	_ =	shalt  }
.Lfunc_end0:
.L_simem_size_0:
called_computation_lowered:
.L_overlay_start_0:
0x88: {  	s2 =	sld [smem:$0x3FD9]  }
0x89: {  	s3 =	sld [smem:$0x3FFE];
	_ =	sdelay $0x1  }
0x8a: {  	s1 =	srdreg.scid  }
0x8b: {  	s0 =	sand.u32 $0x1, s1  }
0x8c: {  	s17 =	sshll.u32 s0, $0xA;
	s2 =	sadd.s32 s3, s2  }
0x8d: {  	s2 =	sadd.s32 s2, s17  }
0x8e: {  	[smem:$0x3FC6] =	sst s2  }
0x8f: {  	_ = 	snop  }
0x90: {  	s2 =	sld [smem:$0x3FC9]  }
0x91: {  	s18 =	sld [smem:$0x3FC8];
	(tm) =	ssettm $0x1  }
0x92: {  	s4 =	sld [smem:$0x3FFB];
	_ =	sdelay $0x3  }
0x93: {  	_ =	strace s4  }
0x94: {  	s4 =	sld [smem:$0x3FFC];
	_ =	sdelay $0x3  }
0x95: {  	_ =	strace s4  }
0x96: {  	s4 =	sld [smem:$0x3FFD];
	_ =	sdelay $0x3  }
0x97: {  	_ =	strace s4  }
0x98: {  	_ =	strace $0x8FFFFFFF  }
0x99: {  	s19 =	sld [smem:$0x3FDB];
	_ =	sdelay $0x1  }
0x9a: {  	s5 =	simm.s32 $_scs_section_size  }
0x9b: {  	s6 =	simm.s32 $_size__tile_overlayer_lowered;
	s7 =	simm.s32 $_tile_overlayer_lowered  }
0x9c: {  	s22 =	simm.s32 $0x1BFF;
	s21 =	sshll.u32 s7, $0x1;
	s4 =	sadd.s32 s5, s19  }
0x9d: {  	s8 =	simm.s32 $0x0;
	s20 =	sshll.u32 s6, $0x1;
	s6 =	sadd.s32 s21, s4  }
0x9e: {  	[timem:s8], [sflag:s22] =	dma.local [hbm:s6], s20  }
0x9f: {  	_ =	swait.ge [sflag:s22], s20  }
0xa0: {  	s5 =	ssub.s32 $0x0, s20;
	[sflag:s22] =	ssyncset.done $0x0  }
0xa1: {  	[sflag:s22] =	ssyncadd.s32 s5;
	_ =	sdelay $0x1  }
0xa2: {  	s23 =	simm.s32 $0x1B8B  }
0xa3: {  	_ =	swait.ge [sflag:s23], $0x1  }
0xa4: {  	[sflag:s23] =	ssyncset.done $0x0  }
0xa5: {  	s25 =	simm.s32 $0x1B8E;
	s24 =	sld [smem:$0x3FFE];
	[sflag:s23] =	ssyncadd.s32 $0xFFFFFFFF  }
0xa6: {  	s26 =	simm.s32 $execute0_lowered;
	[smem:$0x3FD2] =	sst s25  }
0xa7: {  	s6 =	sshll.u32 s26, $0x1;
	_ =	strace $0x80000046;
	[dreg:$0x1] =	wrdreg $0xFFFFFFFF  }
0xa8: {  	s28 =	simm.s32 $_size_execute0_lowered;
	s4 =	sadd.s32 s4, s6;
	[dreg:$0x0] =	wrdreg $0x0  }
0xa9: {  	s6 =	sshll.u32 s28, $0x1;
	[dreg:$0x2] =	wrdreg s4  }
0xaa: {  	[dreg:$0x3] =	wrdreg s6  }
0xab: {  	[dreg:$0x4] =	wrdreg $0xC0  }
0xac: {  	_ =	task [dreg:s8], $0x5FFFF  }
0xad: {  	[dreg:$0x1] =	wrdreg $0xFFFFFFFF  }
0xae: {  	[dreg:$0x0] =	wrdreg $0x60  }
0xaf: {  	[dreg:$0x2] =	wrdreg s2  }
0xb0: {  	[dreg:$0x3] =	wrdreg s18  }
0xb1: {  	[dreg:$0x4] =	wrdreg s24  }
0xb2: {  	[dreg:$0x5] =	wrdreg $0x9  }
0xb3: {  	_ =	task.clear_ibuf [dreg:s8], $0x6FFFF;
	_ =	strace $0x90000046  }
0xb4: {  	s29 =	simm.s32 $0x9;
	_ =	strace $0x80000048  }
0xb5: {  	_ =	swait.ge [sflag:s29], $0x1  }
0xb6: {  	[sflag:s29] =	ssyncadd.s32 $0xFFFFFFFF  }
0xb7: {  	_ =	strace $0x90000048  }
0xb8: {  	_ =	sfence  }
0xb9: {  	s30 =	sld [smem:$0x0];
	_ =	sdelay $0x2  }
0xba: {  	s31 =	sshll.u32 s1, $0xD;
	s1 =	sshrl.u32 s1, $0x2  }
0xbb: {  	s3 =	sand.u32 $0x4000, s31;
	s1 =	sadd.s32 s1, s30  }
0xbc: {  	s0 =	sor.u32 s3, s0;
	s1 =	sshll.u32 s1, $0x11  }
0xbd: {  	s0 =	sor.u32 s1, s0  }
0xbe: {  	s0 =	sadd.s32 $0x8F2B, s0  }
0xbf: {  	[sflag:s0] =	ssyncadd.remote.s32 $0x1  }
0xc0: {  	_ =	sfence.sel $0xFFFF  }
0xc1: {  	[dreg:$0x0] =	wrdreg $0xFFFFFFFF;
	(pc) =	sbr.abs _section_cstart, $3  }
0xc2: {  	[dreg:$0x1] =	wrdreg $0xFFFFFFFF  }
0xc3: {  	_ =	task.clear_ibuf [dreg:s8], $0x2FFFF;
	_ =	strace $0x9FFFFFFF  }
0xc4: {  	(tm) =	ssettm $0x7FFFFFFF  }
0xc5: {  	_ =	shalt  }
tec
execute0_lowered:
.L_overlay_start_1:
0x0: {  	(tag) =	ssettag $0x1  }
0x1: {  	s7 =	rddreg [dreg:$0x0]  }
0x2: {  	s0 =	rddreg [dreg:$0x2]  }
0x3: {  	s1 =	srdreg.scid;
	s2 =	stileid.u32;
	s4 =	simm.s32 $0x0  }
0x4: {  	s13 =	simm.s32 $0x1;
	s17 =	simm.s32 $0x2000;
	s18 =	simm.s32 $0x2  }
0x5: {  	s21 =	simm.s32 $0x3;
	s1 =	sand.u32 $0x1, s1;
	s2 =	sshll.u32 s2, $0x1  }
0x6: {  	v0 =	vimm.s32 $0xFFEDCBA9;
	v1 =	vimm.s32 $0x87654321;
	s23 =	simm.s32 $0x4;
	s24 =	simm.s32 $0x6;
	s2 =	sor.u32 s1, s2  }
0x7: {  	[smem:$0x7FF] =	sst s4;
	s5 =	sadd.s32 $0x400, s0;
	v0 =	vunpack.c.l.s4.s8 v0;
	v1 =	vunpack.c.l.s4.s8 v1;
	s3 =	smul.u32 $0x19000, s2  }
0x8: {  	_ =	strace $0x80000047;
	s28 =	ssub.s32 $0x2, s1;
	s29 =	smul.u32 $0xC8000, s2  }
.Ltmp0:
0x9: {  	v2 =	vlaneseq.u32;
	s6 =	sshrl.u32 s28, $0x1;
	v3 =	vunpack.c.0.s8.s32 v0;
	v1 =	vunpack.c.0.s8.s32 v1;
	s3 =	sadd.s32 s7, s3;
	(pc) =	sbr.rel .LBB2_1-.Ltmp0, $4  }
0xa: {  	v0 =	vmul.u32 $0x80, v2;
	s0 =	ssub.s32 s28, s6;
	s31 =	sor.u32 $0x4000, s29;
	[dreg:$0x4] =	wrdreg s3  }
0xb: {  	s7 =	smul.u32 $0x190000, s2;
	s0 =	smax.u32 s0, $0x1;
	v4 =	vcombine.low v1, v3;
	[dreg:$0x6] =	wrdreg s31  }
0xc: {  	v5 =	vimm.s32 $0x0;
	vm0 =	vmmov $0x7fff;
	s1 =	simm.s32 $0x0;
	v1 =	vor.u32 $0x800, v0;
	s30 =	sadd.s32 $0x400, s3;
	[dreg:$0x7] =	wrdreg s0  }
0xd: {  	s11 =	sor.u32 $0x6000, s29;
	v2 =	vor.u32 $0x1000, v0;
	v3 =	vor.u32 $0x1800, v0;
	[dreg:$0x5] =	wrdreg s30;
	s10 =	sor.u32 $0x4000, s7;
	v4 =	vand.u32 $0xF, v4  }
.LBB2_12:
0xe: {  	s0 =	simm.s32 $0x5  }
0xf: {  	_ =	swait.ge [sflag:s0], $0x4000  }
0x10: {  	[sflag:s0] =	ssyncset.done $0x0  }
0x11: {  	[sflag:s0] =	ssyncadd.s32 $0xFFFFC000  }
0x12: {  	_ =	swait.ge [sflag:s24], $0x4000  }
0x13: {  	s1 =	rddreg [dreg:$0x8]  }
0x14: {  	s31 =	rddreg [dreg:$0x7];
	s1 =	sadd.s32 $0x1, s1  }
0x15: {  	p0 =	sne.s32 s1, s31  }
.Ltmp1:
0x16: {  	_ = 	snop;
	(pc) =	sbr.rel @!p0 .LBB2_13-.Ltmp1, $3  }
0x17: {  	_ =	sdelay $0x1  }
0x18: {  	[sflag:s24] =	ssyncset.done $0x0  }
0x19: {  	[sflag:s24] =	ssyncadd.s32 $0xFFFFC000  }
.LBB2_1:
0x1a: {  	[dreg:$0x8] =	wrdreg s1  }
0x1b: {  	s0 =	rddreg [dreg:$0x4]  }
0x1c: {  	[tilespmem:s4], [sflag:$0x1] =	stream.linear.gather [hbm4b:s0+s4], $0x2000, $0x38;
	[tilespmem:$0x10100] =	vst v63  }
0x1d: {  	_ =	swait.ge [sflag:s13], $0x2000  }
0x1e: {  	[sflag:s13] =	ssyncset.done $0x0  }
0x1f: {  	[sflag:s13] =	ssyncadd.s32 $0xFFFFE000  }
0x20: {  	v6 =	vld.idx.msk [tilespmem:v0+s4+$0x0], $0xffff;
	_ =	sdelay $0x4  }
0x21: {  	v6 =	vadd.f32 $-1.000000000e+00, v6;
	_ =	sdelay $0x1  }
0x22: {  	v6 =	vtrunc.f32 v6  }
0x23: {  	v6 =	vcvt.f32.s32 v6;
	_ =	sdelay $0x1  }
0x24: {  	[tilespmem:$0x4000] =	vst v6  }
0x25: {  	v6 =	vld.idx.msk [tilespmem:v1+s4+$0x0], $0xffff;
	_ =	sdelay $0x4  }
0x26: {  	v6 =	vadd.f32 $-1.000000000e+00, v6;
	_ =	sdelay $0x1  }
0x27: {  	v6 =	vtrunc.f32 v6  }
0x28: {  	v6 =	vcvt.f32.s32 v6;
	_ =	sdelay $0x1  }
0x29: {  	[tilespmem:$0x4010] =	vst v6  }
0x2a: {  	v6 =	vld.idx.msk [tilespmem:v2+s4+$0x0], $0xffff;
	_ =	sdelay $0x4  }
0x2b: {  	v6 =	vadd.f32 $-1.000000000e+00, v6;
	_ =	sdelay $0x1  }
0x2c: {  	v6 =	vtrunc.f32 v6  }
0x2d: {  	v6 =	vcvt.f32.s32 v6;
	_ =	sdelay $0x1  }
0x2e: {  	[tilespmem:$0x4020] =	vst v6  }
0x2f: {  	v6 =	vld.idx.msk [tilespmem:v3+s4+$0x0], $0xffff;
	_ =	sdelay $0x4  }
0x30: {  	v6 =	vadd.f32 $-1.000000000e+00, v6;
	_ =	sdelay $0x1  }
0x31: {  	v6 =	vtrunc.f32 v6  }
0x32: {  	v6 =	vcvt.f32.s32 v6  }
0x33: {  	s30 =	simm.s32 $0x40  }
0x34: {  	s2 =	simm.s32 $0x4000;
	s3 =	simm.s32 $0x4100;
	s28 =	rddreg [dreg:$0x1];
	[tilespmem:$0x4030] =	vst v6  }
0x35: {  	[tilespmem:s3], [sflag:$0x3] =	stream.indirect.gather [hbm4b:s28+s30], $0x80, s2, s30, $0xb8;
	[tilespmem:$0x10100] =	vst v63  }
0x36: {  	s29 =	simm.s32 $0x0;
	s31 =	rddreg [dreg:$0x5]  }
0x37: {  	[tilespmem:s17], [sflag:$0x2] =	stream.linear.gather [hbm4b:s31+s4], $0x2000, $0x38;
	[tilespmem:$0x10100] =	vst v63  }
.LBB2_2:
0x38: {  	_ = 	snop  }
0x39: {  	_ =	swait.ge [sflag:s18], $0x2000  }
0x3a: {  	[sflag:s18] =	ssyncset.done $0x0  }
0x3b: {  	[sflag:s18] =	ssyncadd.s32 $0xFFFFE000  }
0x3c: {  	v6 =	vld.idx.msk [tilespmem:v0+s17+$0x0], $0xffff;
	_ =	sdelay $0x4  }
0x3d: {  	v6 =	vadd.f32 $-1.000000000e+00, v6;
	_ =	sdelay $0x1  }
0x3e: {  	v6 =	vtrunc.f32 v6  }
0x3f: {  	v6 =	vcvt.f32.s32 v6;
	_ =	sdelay $0x1  }
0x40: {  	[tilespmem:$0x4080] =	vst v6  }
0x41: {  	v6 =	vld.idx.msk [tilespmem:v1+s17+$0x0], $0xffff;
	_ =	sdelay $0x4  }
0x42: {  	v6 =	vadd.f32 $-1.000000000e+00, v6;
	_ =	sdelay $0x1  }
0x43: {  	v6 =	vtrunc.f32 v6  }
0x44: {  	v6 =	vcvt.f32.s32 v6;
	_ =	sdelay $0x1  }
0x45: {  	[tilespmem:$0x4090] =	vst v6  }
0x46: {  	v6 =	vld.idx.msk [tilespmem:v2+s17+$0x0], $0xffff;
	_ =	sdelay $0x4  }
0x47: {  	v6 =	vadd.f32 $-1.000000000e+00, v6;
	_ =	sdelay $0x1  }
0x48: {  	v6 =	vtrunc.f32 v6  }
0x49: {  	v6 =	vcvt.f32.s32 v6;
	_ =	sdelay $0x1  }
0x4a: {  	[tilespmem:$0x40A0] =	vst v6  }
0x4b: {  	v6 =	vld.idx.msk [tilespmem:v3+s17+$0x0], $0xffff;
	_ =	sdelay $0x4  }
0x4c: {  	v6 =	vadd.f32 $-1.000000000e+00, v6;
	_ =	sdelay $0x1  }
0x4d: {  	v6 =	vtrunc.f32 v6  }
0x4e: {  	v6 =	vcvt.f32.s32 v6  }
0x4f: {  	s1 =	simm.s32 $0x40  }
0x50: {  	s2 =	simm.s32 $0x4080;
	s3 =	simm.s32 $0x6100;
	s0 =	rddreg [dreg:$0x1];
	[tilespmem:$0x40B0] =	vst v6  }
0x51: {  	[tilespmem:s3], [sflag:$0x4] =	stream.indirect.gather [hbm4b:s0+s1], $0x80, s2, s1, $0xb8;
	[tilespmem:$0x10100] =	vst v63  }
0x52: {  	_ =	swait.ge [sflag:s21], $0x2000  }
0x53: {  	p0 =	seq.s32 s29, $0x0;
	[sflag:s21] =	ssyncset.done $0x0  }
0x54: {  	s0 =	simm.s32 @!p0 $0x5;
	[sflag:s21] =	ssyncadd.s32 $0xFFFFE000  }
0x55: {  	_ =	swait.ge @!p0 [sflag:s0], $0x4000  }
0x56: {  	[sflag:s0] =	ssyncset.done @!p0 $0x0  }
0x57: {  	s12 =	simm.s32 $0x4200;
	[sflag:s0] =	ssyncadd.s32 @!p0 $0xFFFFC000  }
0x58: {  	v6 =	vld [tilespmem:s12+$0xFFFFFF30]  }
0x59: {  	v8 =	vld [tilespmem:s12+$0xFFFFFF21]  }
0x5a: {  	v10 =	vld [tilespmem:s12+$0xFFFFFF11]  }
0x5b: {  	v7 =	vld [tilespmem:s12+$0xFFFFFFB0]  }
0x5c: {  	v9 =	vld [tilespmem:s12+$0xFFFFFFA1]  }
0x5d: {  	v11 =	vld [tilespmem:s12+$0xFFFFFF91]  }
0x5e: {  	s14 =	simm.s32 $0x101;
	v14 =	vld [tilespmem:s12+$0xFFFFFF81]  }
0x5f: {  	v21 =	vld [tilespmem:s14+$0xFFFFFFE0]  }
0x60: {  	v17 =	vld [tilespmem:s14+$0xFFFFFFD0]  }
0x61: {  	v18 =	vld [tilespmem:s14+$0xFFFFFFB0]  }
0x62: {  	v19 =	vld [tilespmem:s14+$0xFFFFFFA0]  }
0x63: {  	v20 =	vld [tilespmem:s14+$0xFFFFFF90]  }
0x64: {  	v16 =	vld [tilespmem:s14+$0xFFFFFF80]  }
0x65: {  	v32 =	vld [tilespmem:s14+$0xFFFFFF60]  }
0x66: {  	v33 =	vld [tilespmem:s14+$0xFFFFFF50]  }
0x67: {  	v34 =	vld [tilespmem:s14+$0xFFFFFF40]  }
0x68: {  	v12 =	vld [tilespmem:s12+$0xB0]  }
0x69: {  	v13 =	vld [tilespmem:s12+$0xA1]  }
0x6a: {  	v15 =	vld [tilespmem:s12+$0x91]  }
0x6b: {  	v22 =	vld [tilespmem:s12+$0x81]  }
0x6c: {  	v24 =	vld [tilespmem:s14+$0xE0]  }
0x6d: {  	v35 =	vld [tilespmem:s14+$0xD0]  }
0x6e: {  	v28 =	vld [tilespmem:s14+$0xC0]  }
0x6f: {  	v23 =	vld [tilespmem:s14+$0xB0]  }
0x70: {  	v36 =	vld [tilespmem:s14+$0xA0]  }
0x71: {  	v29 =	vld [tilespmem:s14+$0xFFFFFFC0]  }
0x72: {  	v25 =	vld [tilespmem:s12+$0x30]  }
0x73: {  	v26 =	vld [tilespmem:s12+$0x21]  }
0x74: {  	v27 =	vld [tilespmem:s12+$0x11]  }
0x75: {  	v30 =	vld [tilespmem:s12+$0x1]  }
0x76: {  	v38 =	vld [tilespmem:s14+$0x30]  }
0x77: {  	v31 =	vld [tilespmem:s14+$0x10]  }
0x78: {  	v39 =	vld [tilespmem:s14+$0x0]  }
0x79: {  	v40 =	vld [tilespmem:s14+$0x20]  }
0x7a: {  	v41 =	vld [tilespmem:s14+$0x60]  }
0x7b: {  	s31 =	simm.s32 $0x0;
	v42 =	vld [tilespmem:s14+$0x50]  }
0x7c: {  	s16 =	simm.s32 $0x100;
	s15 =	sand.u32 $0x3800, s31;
	v43 =	vld [tilespmem:s14+$0x40]  }
0x7d: {  	s2 =	sor.u32 $0x8100, s15;
	s3 =	sand.u32 $0x300, s16;
	v44 =	vld [tilespmem:s12+$0x0]  }
0x7e: {  	s22 =	sadd.s32 s3, s2;
	v45 =	vld [tilespmem:s14+$0x6F]  }
0x7f: {  	s19 =	simm.s32 $0x180;
	v46 =	vld [tilespmem:s14+$0x80];
	[tilespmem:s22+$0x60] =	vst v41  }
0x80: {  	s3 =	sand.u32 $0x380, s19;
	v37 =	vld [tilespmem:s14+$0x90];
	[tilespmem:s22+$0x50] =	vst v42  }
0x81: {  	s9 =	sadd.s32 s3, s2;
	v54 =	vld [tilespmem:s12+$0x80];
	[tilespmem:s22+$0x40] =	vst v43  }
0x82: {  	v55 =	vld [tilespmem:s14+$0xEF];
	[tilespmem:s9+$0x40] =	vst v28  }
0x83: {  	v56 =	vld [tilespmem:s12+$0xFFFFFF00];
	[tilespmem:s22+$0x20] =	vst v40  }
0x84: {  	s20 =	simm.s32 $0x80;
	v47 =	vld [tilespmem:s12+$0xFFFFFF80];
	[tilespmem:s9+$0x0] =	vst v46  }
0x85: {  	s3 =	sand.u32 $0x280, s20;
	v48 =	vld [tilespmem:s14+$0xFFFFFFEF];
	[tilespmem:s22+$0x10] =	vst v31  }
0x86: {  	s19 =	sor.u32 s3, s2;
	v57 =	vld [tilespmem:s14+$0xFFFFFF6F];
	[tilespmem:s9+$0x10] =	vst v37  }
0x87: {  	s30 =	sshll.u32 s29, $0xE;
	v31 =	vld [tilespmem:s14+$0xFFFFFF10];
	[tilespmem:s19+$0x40] =	vst v29  }
0x88: {  	p2 =	por $0x0, $0x0;
	s8 =	simm.s32 $0x0;
	s28 =	simm.s32 $0x2;
	v28 =	vld [tilespmem:s14+$0xFFFFFF00];
	[tilespmem:s22+$0x0] =	vst v39  }
0x89: {  	s25 =	sand.u32 $0x7, s31;
	s6 =	sand.u32 $0x200, s31;
	s26 =	sand.u32 $0x3, s31;
	v40 =	vld [tilespmem:s14+$0xFFFFFF20];
	v58 =	vperm.xlane v45, v4;
	v59 =	vperm.xlane v44, v5;
	[tilespmem:s9+$0x20] =	vst v36  }
0x8a: {  	p1 =	por p2, p2;
	p2 =	por !p2, !p2;
	s20 =	sor.u32 s6, s2;
	v29 =	vld [tilespmem:s12+$0xFFFFFF01];
	v60 =	vperm.xlane v55, v4;
	v61 =	vperm.xlane v54, v5;
	[tilespmem:s22+$0x30] =	vst v38  }
0x8b: {  	s1 =	sshll.u32 s26, $0x8;
	s26 =	simm.s32 $0x301;
	s15 =	simm.s32 $0x400;
	v41 =	vld [tilespmem:s14+$0xFFFFFF30];
	v62 =	vperm.xlane v48, v4;
	v47 =	vperm.xlane v47, v5;
	[tilespmem:s20+$0x60] =	vst v32  }
0x8c: {  	s16 =	simm.s32 $0x4400;
	s1 =	sadd.s32 $0x0, s1;
	s3 =	sshll.u32 s25, $0x7;
	v63 =	vperm.xlane v57, v4;
	v43 =	vperm.xlane v56, v5;
	[tilespmem:s9+$0x50] =	vst v35  }
0x8d: {  	s6 =	simm.s32 $0x200;
	s1 =	sadd.s32 $0x100, s1;
	s3 =	sadd.s32 $0x0, s3;
	[tilespmem:s20+$0x50] =	vst v33;
	v42 =	vsel vm0, v58, v59  }
0x8e: {  	s2 =	sadd.s32 $0x180, s3;
	s0 =	sadd.s32 $0x80, s3;
	[tilespmem:s20+$0x40] =	vst v34;
	s12 =	simm.s32 $0x0;
	v38 =	vsel vm0, v60, v61;
	v37 =	vsel vm0, v62, v47;
	v39 =	vsel vm0, v63, v43  }
.LBB2_3:
0x8f: {  	v35 =	vld [tilespmem:s16+$0xFFFFFF30];
	s8 =	sadd.s32 $0x4, s8;
	s3 =	sor.u32 $0x400, s1;
	[tilespmem:s9+$0x60] =	vst v24;
	s31 =	sadd.s32 $0x4, s31  }
0x90: {  	s25 =	sand.u32 $0x7, s31;
	v43 =	vld [tilespmem:s16+$0xFFFFFF21];
	p3 =	slt.u32 s8, $0x3C;
	[tilespmem:s3+$0x8100] =	vst v30  }
0x91: {  	s3 =	sshll.u32 s25, $0x7;
	v30 =	vld [tilespmem:s16+$0xFFFFFF11];
	[tilespmem:s22+$0x70] =	vst v42  }
0x92: {  	s3 =	sadd.s32 s15, s3;
	v42 =	vld [tilespmem:s16+$0xFFFFFFB0];
	[tilespmem:s20+$0x30] =	vst v41  }
0x93: {  	v41 =	vld [tilespmem:s16+$0xFFFFFFA1];
	s22 =	sadd.s32 $0x80, s3;
	s25 =	sadd.s32 $0x180, s3;
	[tilespmem:s20+$0x20] =	vst v40;
	s3 =	sor.u32 $0x410, s1  }
0x94: {  	v40 =	vld [tilespmem:s16+$0xFFFFFF91];
	[tilespmem:s3+$0x8100] =	vst v27;
	s3 =	sor.u32 $0x420, s1  }
0x95: {  	s1 =	sor.u32 $0x42F, s1;
	v24 =	vld [tilespmem:s16+$0xFFFFFF81];
	[tilespmem:s3+$0x8100] =	vst v26  }
0x96: {  	v26 =	vld [tilespmem:s26+$0xFFFFFFE0];
	[tilespmem:s1+$0x8100] =	vst v25  }
0x97: {  	v25 =	vld [tilespmem:s26+$0xFFFFFFD0];
	[tilespmem:s19+$0x60] =	vst v21  }
0x98: {  	v27 =	vld [tilespmem:s26+$0xFFFFFFB0];
	[tilespmem:s9+$0x30] =	vst v23  }
0x99: {  	v23 =	vld [tilespmem:s26+$0xFFFFFFA0];
	[tilespmem:s19+$0x50] =	vst v17  }
0x9a: {  	v36 =	vld [tilespmem:s26+$0xFFFFFF90];
	[tilespmem:s19+$0x30] =	vst v18  }
0x9b: {  	v44 =	vld [tilespmem:s26+$0xFFFFFF80];
	[tilespmem:s19+$0x20] =	vst v19;
	v21 =	vmov v26  }
0x9c: {  	v34 =	vld [tilespmem:s26+$0xFFFFFF60];
	[tilespmem:s19+$0x10] =	vst v20;
	v17 =	vmov v25  }
0x9d: {  	v33 =	vld [tilespmem:s26+$0xFFFFFF50];
	[tilespmem:s20+$0x10] =	vst v31;
	v18 =	vmov v27  }
0x9e: {  	v32 =	vld [tilespmem:s26+$0xFFFFFF40];
	[tilespmem:s19+$0x0] =	vst v16;
	v19 =	vmov v23  }
0x9f: {  	v25 =	vld [tilespmem:s16+$0xB0];
	[tilespmem:s9+$0x70] =	vst v38;
	v20 =	vmov v36  }
0xa0: {  	s1 =	simm.s32 $0x1;
	v26 =	vld [tilespmem:s16+$0xA1];
	[tilespmem:s20+$0x70] =	vst v39;
	v16 =	vmov v44  }
0xa1: {  	s3 =	sor.u32 $0x400, s0;
	s1 =	simm.s32 @!p1 $0x0;
	p1 =	por p2, p2;
	v27 =	vld [tilespmem:s16+$0x91];
	[tilespmem:s19+$0x70] =	vst v37  }
0xa2: {  	s1 =	sshll.u32 s1, $0x9;
	v31 =	vld [tilespmem:s16+$0x81];
	[tilespmem:s3+$0x8100] =	vst v14;
	s3 =	sor.u32 $0x400, s2;
	v14 =	vmov v24  }
0xa3: {  	s1 =	sadd.s32 s1, s12;
	s12 =	smov.u32 s15;
	v24 =	vld [tilespmem:s26+$0xE0];
	[tilespmem:s3+$0x8100] =	vst v22  }
0xa4: {  	s3 =	sor.u32 $0x400, s1;
	v36 =	vld [tilespmem:s26+$0xD0];
	[tilespmem:s20+$0x0] =	vst v28  }
0xa5: {  	v28 =	vld [tilespmem:s26+$0xC0];
	[tilespmem:s3+$0x8100] =	vst v29;
	s3 =	sor.u32 $0x410, s0  }
0xa6: {  	v23 =	vld [tilespmem:s26+$0xB0];
	[tilespmem:s3+$0x8100] =	vst v11;
	s3 =	sor.u32 $0x410, s2;
	v11 =	vmov v40  }
0xa7: {  	v37 =	vld [tilespmem:s26+$0xA0];
	[tilespmem:s3+$0x8100] =	vst v15;
	s3 =	sor.u32 $0x420, s2;
	v15 =	vmov v27;
	v22 =	vmov v31  }
0xa8: {  	v29 =	vld [tilespmem:s26+$0xFFFFFFC0];
	[tilespmem:s3+$0x8100] =	vst v13;
	s3 =	sor.u32 $0x42F, s2;
	v13 =	vmov v26;
	s2 =	smov.u32 s25  }
0xa9: {  	s9 =	sor.u32 $0x410, s1;
	v38 =	vld [tilespmem:s26+$0x90];
	[tilespmem:s3+$0x8100] =	vst v12;
	v12 =	vmov v25  }
0xaa: {  	s3 =	sor.u32 $0x420, s1;
	v31 =	vld [tilespmem:s26+$0x80];
	[tilespmem:s9+$0x8100] =	vst v10;
	v10 =	vmov v30  }
0xab: {  	v25 =	vld [tilespmem:s16+$0x30];
	[tilespmem:s3+$0x8100] =	vst v8;
	s3 =	sor.u32 $0x420, s0;
	v8 =	vmov v43  }
0xac: {  	s1 =	sor.u32 $0x42F, s1;
	v26 =	vld [tilespmem:s16+$0x21];
	[tilespmem:s3+$0x8100] =	vst v9;
	s3 =	sor.u32 $0x42F, s0;
	v9 =	vmov v41;
	s0 =	smov.u32 s22  }
0xad: {  	v27 =	vld [tilespmem:s16+$0x11];
	[tilespmem:s3+$0x8100] =	vst v7;
	v7 =	vmov v42  }
0xae: {  	v30 =	vld [tilespmem:s16+$0x1];
	[tilespmem:s1+$0x8100] =	vst v6;
	v6 =	vmov v35  }
0xaf: {  	v35 =	vld [tilespmem:s26+$0x30]  }
0xb0: {  	v39 =	vld [tilespmem:s26+$0x10]  }
0xb1: {  	v41 =	vld [tilespmem:s26+$0x0]  }
0xb2: {  	v40 =	vld [tilespmem:s26+$0x20]  }
0xb3: {  	v42 =	vld [tilespmem:s26+$0x60]  }
0xb4: {  	v43 =	vld [tilespmem:s26+$0x50]  }
0xb5: {  	s3 =	sadd.s32 $0x100, s6;
	s1 =	sand.u32 $0x3800, s15;
	v44 =	vld [tilespmem:s26+$0x40]  }
0xb6: {  	s3 =	sand.u32 $0x300, s3;
	s1 =	sor.u32 $0x8100, s1;
	v45 =	vld [tilespmem:s16+$0x0]  }
0xb7: {  	s22 =	sadd.s32 s3, s1;
	v46 =	vld [tilespmem:s26+$0x6F]  }
0xb8: {  	s3 =	sadd.s32 $0x180, s6;
	v47 =	vld [tilespmem:s16+$0xFFFFFF00];
	[tilespmem:s22+$0x60] =	vst v42  }
0xb9: {  	s3 =	sand.u32 $0x380, s3;
	[tilespmem:s22+$0x50] =	vst v43;
	v43 =	vld [tilespmem:s16+$0x80]  }
0xba: {  	s9 =	sadd.s32 s3, s1;
	[tilespmem:s22+$0x40] =	vst v44;
	v44 =	vld [tilespmem:s26+$0xEF]  }
0xbb: {  	v48 =	vld [tilespmem:s16+$0xFFFFFF80];
	[tilespmem:s9+$0x40] =	vst v28  }
0xbc: {  	v42 =	vperm.xlane v45, v5;
	v49 =	vld [tilespmem:s26+$0xFFFFFFEF];
	v28 =	vperm.xlane v46, v4;
	[tilespmem:s22+$0x20] =	vst v40  }
0xbd: {  	s3 =	sadd.s32 $0x80, s6;
	v45 =	vld [tilespmem:s26+$0xFFFFFF6F];
	[tilespmem:s9+$0x0] =	vst v31  }
0xbe: {  	s3 =	sand.u32 $0x280, s3;
	v31 =	vld [tilespmem:s26+$0xFFFFFF10];
	v42 =	vsel vm0, v28, v42;
	[tilespmem:s22+$0x10] =	vst v39  }
0xbf: {  	s19 =	sor.u32 s3, s1;
	v43 =	vperm.xlane v43, v5;
	v28 =	vld [tilespmem:s26+$0xFFFFFF00];
	v39 =	vperm.xlane v44, v4;
	[tilespmem:s9+$0x10] =	vst v38  }
0xc0: {  	v40 =	vld [tilespmem:s26+$0xFFFFFF20];
	[tilespmem:s19+$0x40] =	vst v29  }
0xc1: {  	v46 =	vperm.xlane v48, v5;
	v29 =	vld [tilespmem:s16+$0xFFFFFF01];
	v44 =	vperm.xlane v49, v4;
	[tilespmem:s22+$0x0] =	vst v41;
	v38 =	vsel vm0, v39, v43  }
0xc2: {  	s3 =	sand.u32 $0x200, s6;
	v43 =	vperm.xlane v47, v5;
	v41 =	vld [tilespmem:s26+$0xFFFFFF30];
	v39 =	vperm.xlane v45, v4;
	[tilespmem:s9+$0x20] =	vst v37  }
.Ltmp2:
0xc3: {  	s20 =	sor.u32 s3, s1;
	v37 =	vsel vm0, v44, v46;
	[tilespmem:s22+$0x30] =	vst v35;
	(pc) =	sbr.rel @p3 .LBB2_3-.Ltmp2, $4  }
0xc4: {  	s1 =	sand.u32 $0x3, s28;
	v39 =	vsel vm0, v39, v43;
	[tilespmem:s20+$0x60] =	vst v34  }
0xc5: {  	s6 =	sadd.s32 $0x200, s6;
	s1 =	sshll.u32 s1, $0x8;
	s26 =	sadd.s32 $0x200, s26;
	[tilespmem:s9+$0x50] =	vst v36  }
0xc6: {  	p2 =	por !p2, !p2;
	s28 =	sadd.s32 $0x2, s28;
	s1 =	sadd.s32 s15, s1;
	[tilespmem:s20+$0x50] =	vst v33  }
0xc7: {  	s15 =	sadd.s32 $0x400, s15;
	s1 =	sadd.s32 $0x100, s1;
	s16 =	sadd.s32 $0x200, s16;
	[tilespmem:s20+$0x40] =	vst v32  }
0xc8: {  	[tilespmem:s9+$0x60] =	vst v24  }
0xc9: {  	[tilespmem:s20+$0x30] =	vst v41  }
0xca: {  	[tilespmem:s20+$0x20] =	vst v40  }
0xcb: {  	[tilespmem:s19+$0x60] =	vst v21  }
0xcc: {  	[tilespmem:s9+$0x30] =	vst v23  }
0xcd: {  	[tilespmem:s19+$0x50] =	vst v17  }
0xce: {  	[tilespmem:s19+$0x30] =	vst v18  }
0xcf: {  	[tilespmem:s19+$0x20] =	vst v19  }
0xd0: {  	[tilespmem:s19+$0x10] =	vst v20  }
0xd1: {  	[tilespmem:s20+$0x10] =	vst v31  }
0xd2: {  	[tilespmem:s19+$0x0] =	vst v16  }
0xd3: {  	[tilespmem:s9+$0x70] =	vst v38  }
0xd4: {  	[tilespmem:s20+$0x70] =	vst v39  }
0xd5: {  	[tilespmem:s19+$0x70] =	vst v37  }
0xd6: {  	s3 =	sor.u32 $0x400, s1;
	[tilespmem:s20+$0x0] =	vst v28  }
0xd7: {  	s28 =	sor.u32 $0x400, s0;
	[tilespmem:s3+$0x8100] =	vst v30  }
0xd8: {  	s6 =	sor.u32 $0x400, s2;
	[tilespmem:s28+$0x8100] =	vst v14  }
0xd9: {  	[tilespmem:s6+$0x8100] =	vst v22  }
0xda: {  	s9 =	sor.u32 $0x410, s0;
	[tilespmem:s22+$0x70] =	vst v42  }
0xdb: {  	s22 =	sor.u32 $0x410, s1;
	[tilespmem:s9+$0x8100] =	vst v11  }
0xdc: {  	s20 =	sor.u32 $0x420, s0;
	[tilespmem:s22+$0x8100] =	vst v27  }
0xdd: {  	s25 =	sor.u32 $0x420, s1;
	s26 =	sor.u32 $0x42F, s1;
	s1 =	simm.s32 $0x1;
	[tilespmem:s20+$0x8100] =	vst v9  }
0xde: {  	s1 =	simm.s32 @!p1 $0x0;
	s22 =	sor.u32 $0x42F, s0;
	[tilespmem:s25+$0x8100] =	vst v26  }
0xdf: {  	s1 =	sshll.u32 s1, $0x9;
	[tilespmem:s22+$0x8100] =	vst v7  }
0xe0: {  	[tilespmem:s26+$0x8100] =	vst v25;
	s1 =	sadd.s32 s1, s12;
	s12 =	sor.u32 $0x410, s2  }
0xe1: {  	s8 =	sor.u32 $0x400, s1;
	[tilespmem:s12+$0x8100] =	vst v15  }
0xe2: {  	s14 =	sor.u32 $0x420, s2;
	[tilespmem:s8+$0x8100] =	vst v29  }
0xe3: {  	s15 =	sor.u32 $0x42F, s2;
	p1 =	sne.s32 s29, $0x31;
	[tilespmem:s14+$0x8100] =	vst v13  }
.Ltmp3:
0xe4: {  	s31 =	sshll.u32 s29, $0xF;
	s16 =	sor.u32 $0x410, s1;
	[tilespmem:s15+$0x8100] =	vst v12;
	(pc) =	sbr.rel @p1 .LBB2_6-.Ltmp3, $4  }
0xe5: {  	s25 =	sadd.s32 s7, s31;
	s19 =	sor.u32 $0x420, s1;
	[tilespmem:s16+$0x8100] =	vst v10  }
0xe6: {  	s26 =	sshrl.u32 s25, $0x3;
	s1 =	sor.u32 $0x42F, s1;
	[tilespmem:s19+$0x8100] =	vst v8  }
0xe7: {  	s28 =	simm.s32 $0x8100;
	s0 =	sadd.s32 s5, s26;
	[tilespmem:s1+$0x8100] =	vst v6  }
0xe8: {  	[hbm4b:s0+s4] =	stream.linear.scatter [tilespmem:s28], [sflag:$0x5], $0x4000, $0x38;
	[tilespmem:$0x10100] =	vst v63  }
.Ltmp4:
0xe9: {  	(pc) =	sbr.rel .LBB2_7-.Ltmp4, $4  }
0xea: {  	_ = 	snop  }
0xeb: {  	_ =	swait.ge [sflag:s23], $0x2000  }
0xec: {  	[sflag:s23] =	ssyncset.done $0x0  }
0xed: {  	[sflag:s23] =	ssyncadd.s32 $0xFFFFE000  }
.LBB2_6:
0xee: {  	s0 =	rddreg [dreg:$0x6]  }
0xef: {  	s0 =	sadd.s32 s30, s0  }
0xf0: {  	s1 =	rddreg [dreg:$0x0];
	s0 =	sshrl.u32 s0, $0x3  }
0xf1: {  	s0 =	sadd.s32 s1, s0  }
0xf2: {  	[tilespmem:s4], [sflag:$0x1] =	stream.linear.gather [hbm4b:s0+s4], $0x2000, $0x38;
	[tilespmem:$0x10100] =	vst v63  }
0xf3: {  	_ =	swait.ge [sflag:s13], $0x2000  }
0xf4: {  	[sflag:s13] =	ssyncset.done $0x0  }
0xf5: {  	[sflag:s13] =	ssyncadd.s32 $0xFFFFE000  }
0xf6: {  	v6 =	vld.idx.msk [tilespmem:v0+s4+$0x0], $0xffff;
	_ =	sdelay $0x4  }
0xf7: {  	v6 =	vadd.f32 $-1.000000000e+00, v6;
	_ =	sdelay $0x1  }
0xf8: {  	v6 =	vtrunc.f32 v6  }
0xf9: {  	v6 =	vcvt.f32.s32 v6;
	_ =	sdelay $0x1  }
0xfa: {  	[tilespmem:$0x4000] =	vst v6  }
0xfb: {  	v6 =	vld.idx.msk [tilespmem:v1+s4+$0x0], $0xffff;
	_ =	sdelay $0x4  }
0xfc: {  	v6 =	vadd.f32 $-1.000000000e+00, v6;
	_ =	sdelay $0x1  }
0xfd: {  	v6 =	vtrunc.f32 v6  }
0xfe: {  	v6 =	vcvt.f32.s32 v6;
	_ =	sdelay $0x1  }
0xff: {  	[tilespmem:$0x4010] =	vst v6  }
0x100: {  	v6 =	vld.idx.msk [tilespmem:v2+s4+$0x0], $0xffff;
	_ =	sdelay $0x4  }
0x101: {  	v6 =	vadd.f32 $-1.000000000e+00, v6;
	_ =	sdelay $0x1  }
0x102: {  	v6 =	vtrunc.f32 v6  }
0x103: {  	v6 =	vcvt.f32.s32 v6;
	_ =	sdelay $0x1  }
0x104: {  	[tilespmem:$0x4020] =	vst v6  }
0x105: {  	v6 =	vld.idx.msk [tilespmem:v3+s4+$0x0], $0xffff;
	_ =	sdelay $0x4  }
0x106: {  	v6 =	vadd.f32 $-1.000000000e+00, v6;
	_ =	sdelay $0x1  }
0x107: {  	v6 =	vtrunc.f32 v6  }
0x108: {  	v6 =	vcvt.f32.s32 v6  }
0x109: {  	s28 =	simm.s32 $0x40;
	s2 =	simm.s32 $0x4000  }
.Ltmp5:
0x10a: {  	s3 =	simm.s32 $0x4100;
	s26 =	rddreg [dreg:$0x1];
	[tilespmem:$0x4030] =	vst v6;
	(pc) =	sbr.rel @p0 .LBB2_8-.Ltmp5, $4  }
0x10b: {  	[tilespmem:s3], [sflag:$0x3] =	stream.indirect.gather [hbm4b:s26+s28], $0x80, s2, s28, $0xb8;
	[tilespmem:$0x10100] =	vst v63  }
0x10c: {  	_ =	swait.ge [sflag:s23], $0x2000  }
0x10d: {  	[sflag:s23] =	ssyncset.done $0x0  }
0x10e: {  	[sflag:s23] =	ssyncadd.s32 $0xFFFFE000  }
.LBB2_7:
0x10f: {  	_ =	swait.ge [sflag:s24], $0x4000  }
0x110: {  	[sflag:s24] =	ssyncset.done $0x0  }
0x111: {  	[sflag:s24] =	ssyncadd.s32 $0xFFFFC000  }
.LBB2_8:
0x112: {  	s0 =	simm.s32 $0x6200  }
0x113: {  	v6 =	vld [tilespmem:s0+$0xFFFFFF30]  }
0x114: {  	v8 =	vld [tilespmem:s0+$0xFFFFFF21]  }
0x115: {  	v10 =	vld [tilespmem:s0+$0xFFFFFF11]  }
0x116: {  	v7 =	vld [tilespmem:s0+$0xFFFFFFB0]  }
0x117: {  	v9 =	vld [tilespmem:s0+$0xFFFFFFA1]  }
0x118: {  	v11 =	vld [tilespmem:s0+$0xFFFFFF91]  }
0x119: {  	s1 =	simm.s32 $0x2101;
	v14 =	vld [tilespmem:s0+$0xFFFFFF81]  }
0x11a: {  	v21 =	vld [tilespmem:s1+$0xFFFFFFE0]  }
0x11b: {  	v17 =	vld [tilespmem:s1+$0xFFFFFFD0]  }
0x11c: {  	v18 =	vld [tilespmem:s1+$0xFFFFFFB0]  }
0x11d: {  	v19 =	vld [tilespmem:s1+$0xFFFFFFA0]  }
0x11e: {  	v20 =	vld [tilespmem:s1+$0xFFFFFF90]  }
0x11f: {  	v16 =	vld [tilespmem:s1+$0xFFFFFF80]  }
0x120: {  	v31 =	vld [tilespmem:s1+$0xFFFFFF60]  }
0x121: {  	v32 =	vld [tilespmem:s1+$0xFFFFFF50]  }
0x122: {  	v34 =	vld [tilespmem:s1+$0xFFFFFF40]  }
0x123: {  	v12 =	vld [tilespmem:s0+$0xB0]  }
0x124: {  	v13 =	vld [tilespmem:s0+$0xA1]  }
0x125: {  	v15 =	vld [tilespmem:s0+$0x91]  }
0x126: {  	v22 =	vld [tilespmem:s0+$0x81]  }
0x127: {  	v24 =	vld [tilespmem:s1+$0xE0]  }
0x128: {  	v35 =	vld [tilespmem:s1+$0xD0]  }
0x129: {  	v28 =	vld [tilespmem:s1+$0xC0]  }
0x12a: {  	v23 =	vld [tilespmem:s1+$0xB0]  }
0x12b: {  	v36 =	vld [tilespmem:s1+$0xA0]  }
0x12c: {  	v29 =	vld [tilespmem:s1+$0xFFFFFFC0]  }
0x12d: {  	v25 =	vld [tilespmem:s0+$0x30]  }
0x12e: {  	v26 =	vld [tilespmem:s0+$0x21]  }
0x12f: {  	v27 =	vld [tilespmem:s0+$0x11]  }
0x130: {  	v30 =	vld [tilespmem:s0+$0x1]  }
0x131: {  	v38 =	vld [tilespmem:s1+$0x30]  }
0x132: {  	v33 =	vld [tilespmem:s1+$0x10]  }
0x133: {  	v39 =	vld [tilespmem:s1+$0x0]  }
0x134: {  	v40 =	vld [tilespmem:s1+$0x20]  }
0x135: {  	v41 =	vld [tilespmem:s1+$0x60]  }
0x136: {  	s2 =	simm.s32 $0x0;
	v42 =	vld [tilespmem:s1+$0x50]  }
0x137: {  	s6 =	simm.s32 $0x100;
	s3 =	sand.u32 $0x3800, s2;
	v43 =	vld [tilespmem:s1+$0x40]  }
0x138: {  	v44 =	vld [tilespmem:s0+$0x0];
	s6 =	sand.u32 $0x300, s6;
	s3 =	sor.u32 $0xC100, s3  }
0x139: {  	v45 =	vld [tilespmem:s1+$0x6F];
	s25 =	sadd.s32 s6, s3  }
0x13a: {  	s19 =	simm.s32 $0x180;
	v46 =	vld [tilespmem:s1+$0x80];
	[tilespmem:s25+$0x60] =	vst v41  }
0x13b: {  	v37 =	vld [tilespmem:s1+$0x90];
	s6 =	sand.u32 $0x380, s19;
	[tilespmem:s25+$0x50] =	vst v42  }
0x13c: {  	v55 =	vld [tilespmem:s0+$0x80];
	s19 =	sadd.s32 s6, s3;
	[tilespmem:s25+$0x40] =	vst v43  }
0x13d: {  	v56 =	vld [tilespmem:s1+$0xEF];
	[tilespmem:s19+$0x40] =	vst v28  }
0x13e: {  	v57 =	vld [tilespmem:s0+$0xFFFFFF00];
	[tilespmem:s25+$0x20] =	vst v40  }
0x13f: {  	s20 =	simm.s32 $0x80;
	v47 =	vld [tilespmem:s0+$0xFFFFFF80];
	[tilespmem:s19+$0x0] =	vst v46  }
0x140: {  	v48 =	vld [tilespmem:s1+$0xFFFFFFEF];
	s6 =	sand.u32 $0x280, s20;
	[tilespmem:s25+$0x10] =	vst v33  }
0x141: {  	v58 =	vld [tilespmem:s1+$0xFFFFFF6F];
	s20 =	sor.u32 s6, s3;
	[tilespmem:s19+$0x10] =	vst v37  }
0x142: {  	v33 =	vld [tilespmem:s1+$0xFFFFFF10];
	[tilespmem:s20+$0x40] =	vst v29  }
0x143: {  	p1 =	por $0x0, $0x0;
	s12 =	simm.s32 $0x0;
	s28 =	simm.s32 $0x2301;
	v28 =	vld [tilespmem:s1+$0xFFFFFF00];
	[tilespmem:s25+$0x0] =	vst v39  }
0x144: {  	s15 =	simm.s32 $0x2;
	s22 =	sand.u32 $0x7, s2;
	s8 =	sand.u32 $0x200, s2;
	v40 =	vld [tilespmem:s1+$0xFFFFFF20];
	v59 =	vperm.xlane v45, v4;
	v60 =	vperm.xlane v44, v5;
	[tilespmem:s19+$0x20] =	vst v36  }
0x145: {  	s16 =	simm.s32 $0x400;
	s6 =	sshll.u32 s22, $0x7;
	s22 =	sor.u32 s8, s3;
	v29 =	vld [tilespmem:s0+$0xFFFFFF01];
	v61 =	vperm.xlane v56, v4;
	v62 =	vperm.xlane v55, v5;
	[tilespmem:s25+$0x30] =	vst v38  }
0x146: {  	s9 =	simm.s32 $0x6400;
	s26 =	sand.u32 $0x3, s2;
	p0 =	por p1, p1;
	v41 =	vld [tilespmem:s1+$0xFFFFFF30];
	v63 =	vperm.xlane v48, v4;
	v47 =	vperm.xlane v47, v5;
	[tilespmem:s22+$0x60] =	vst v31  }
0x147: {  	p1 =	por !p1, !p1;
	s6 =	sadd.s32 $0x0, s6;
	s1 =	sshll.u32 s26, $0x8;
	v31 =	vperm.xlane v58, v4;
	v43 =	vperm.xlane v57, v5;
	[tilespmem:s19+$0x50] =	vst v35  }
0x148: {  	s26 =	simm.s32 $0x200;
	[tilespmem:s22+$0x50] =	vst v32;
	s0 =	sadd.s32 $0x80, s6;
	s1 =	sadd.s32 $0x0, s1;
	v42 =	vsel vm0, v59, v60  }
0x149: {  	[tilespmem:s22+$0x40] =	vst v34;
	s8 =	sadd.s32 $0x180, s6;
	s6 =	simm.s32 $0x0;
	s3 =	sadd.s32 $0x100, s1;
	v38 =	vsel vm0, v61, v62;
	v37 =	vsel vm0, v63, v47;
	v39 =	vsel vm0, v31, v43  }
.LBB2_9:
0x14a: {  	v35 =	vld [tilespmem:s9+$0xFFFFFF30];
	s12 =	sadd.s32 $0x4, s12;
	s1 =	sor.u32 $0x400, s3;
	[tilespmem:s19+$0x60] =	vst v24;
	s2 =	sadd.s32 $0x4, s2  }
0x14b: {  	s14 =	sand.u32 $0x7, s2;
	v43 =	vld [tilespmem:s9+$0xFFFFFF21];
	p2 =	slt.u32 s12, $0x3C;
	[tilespmem:s1+$0xC100] =	vst v30  }
0x14c: {  	s1 =	sshll.u32 s14, $0x7;
	v30 =	vld [tilespmem:s9+$0xFFFFFF11];
	[tilespmem:s25+$0x70] =	vst v42  }
0x14d: {  	s1 =	sadd.s32 s16, s1;
	v42 =	vld [tilespmem:s9+$0xFFFFFFB0];
	[tilespmem:s22+$0x30] =	vst v41  }
0x14e: {  	s14 =	sor.u32 $0x410, s3;
	v41 =	vld [tilespmem:s9+$0xFFFFFFA1];
	s25 =	sadd.s32 $0x80, s1;
	s1 =	sadd.s32 $0x180, s1;
	[tilespmem:s22+$0x20] =	vst v40  }
0x14f: {  	v40 =	vld [tilespmem:s9+$0xFFFFFF91];
	[tilespmem:s14+$0xC100] =	vst v27;
	s14 =	sor.u32 $0x420, s3  }
0x150: {  	s3 =	sor.u32 $0x42F, s3;
	v24 =	vld [tilespmem:s9+$0xFFFFFF81];
	[tilespmem:s14+$0xC100] =	vst v26  }
0x151: {  	v26 =	vld [tilespmem:s28+$0xFFFFFFE0];
	[tilespmem:s3+$0xC100] =	vst v25  }
0x152: {  	v25 =	vld [tilespmem:s28+$0xFFFFFFD0];
	[tilespmem:s20+$0x60] =	vst v21  }
0x153: {  	v27 =	vld [tilespmem:s28+$0xFFFFFFB0];
	[tilespmem:s19+$0x30] =	vst v23  }
0x154: {  	v23 =	vld [tilespmem:s28+$0xFFFFFFA0];
	[tilespmem:s20+$0x50] =	vst v17  }
0x155: {  	v36 =	vld [tilespmem:s28+$0xFFFFFF90];
	[tilespmem:s20+$0x30] =	vst v18  }
0x156: {  	v44 =	vld [tilespmem:s28+$0xFFFFFF80];
	[tilespmem:s20+$0x20] =	vst v19;
	v21 =	vmov v26  }
0x157: {  	v34 =	vld [tilespmem:s28+$0xFFFFFF60];
	[tilespmem:s20+$0x10] =	vst v20;
	v17 =	vmov v25  }
0x158: {  	v32 =	vld [tilespmem:s28+$0xFFFFFF50];
	[tilespmem:s22+$0x10] =	vst v33;
	v18 =	vmov v27  }
0x159: {  	v31 =	vld [tilespmem:s28+$0xFFFFFF40];
	[tilespmem:s20+$0x0] =	vst v16;
	v19 =	vmov v23  }
0x15a: {  	v25 =	vld [tilespmem:s9+$0xB0];
	[tilespmem:s19+$0x70] =	vst v38;
	v20 =	vmov v36  }
0x15b: {  	s3 =	simm.s32 $0x1;
	v26 =	vld [tilespmem:s9+$0xA1];
	[tilespmem:s22+$0x70] =	vst v39;
	v16 =	vmov v44  }
0x15c: {  	s14 =	sor.u32 $0x400, s0;
	s3 =	simm.s32 @!p0 $0x0;
	p0 =	por p1, p1;
	v27 =	vld [tilespmem:s9+$0x91];
	[tilespmem:s20+$0x70] =	vst v37  }
0x15d: {  	s3 =	sshll.u32 s3, $0x9;
	v33 =	vld [tilespmem:s9+$0x81];
	[tilespmem:s14+$0xC100] =	vst v14;
	s14 =	sor.u32 $0x400, s8;
	v14 =	vmov v24  }
0x15e: {  	s3 =	sadd.s32 s3, s6;
	s6 =	smov.u32 s16;
	v24 =	vld [tilespmem:s28+$0xE0];
	[tilespmem:s14+$0xC100] =	vst v22  }
0x15f: {  	s14 =	sor.u32 $0x400, s3;
	v36 =	vld [tilespmem:s28+$0xD0];
	[tilespmem:s22+$0x0] =	vst v28  }
0x160: {  	v28 =	vld [tilespmem:s28+$0xC0];
	[tilespmem:s14+$0xC100] =	vst v29;
	s14 =	sor.u32 $0x410, s0  }
0x161: {  	v23 =	vld [tilespmem:s28+$0xB0];
	[tilespmem:s14+$0xC100] =	vst v11;
	s14 =	sor.u32 $0x410, s8;
	v11 =	vmov v40  }
0x162: {  	v37 =	vld [tilespmem:s28+$0xA0];
	[tilespmem:s14+$0xC100] =	vst v15;
	s14 =	sor.u32 $0x420, s8;
	v15 =	vmov v27;
	v22 =	vmov v33  }
0x163: {  	v29 =	vld [tilespmem:s28+$0xFFFFFFC0];
	[tilespmem:s14+$0xC100] =	vst v13;
	s14 =	sor.u32 $0x42F, s8;
	v13 =	vmov v26;
	s8 =	smov.u32 s1  }
0x164: {  	s1 =	sor.u32 $0x410, s3;
	v38 =	vld [tilespmem:s28+$0x90];
	[tilespmem:s14+$0xC100] =	vst v12;
	v12 =	vmov v25  }
0x165: {  	v33 =	vld [tilespmem:s28+$0x80];
	[tilespmem:s1+$0xC100] =	vst v10;
	s1 =	sor.u32 $0x420, s3;
	v10 =	vmov v30  }
0x166: {  	v25 =	vld [tilespmem:s9+$0x30];
	[tilespmem:s1+$0xC100] =	vst v8;
	s1 =	sor.u32 $0x420, s0;
	v8 =	vmov v43  }
0x167: {  	s3 =	sor.u32 $0x42F, s3;
	v26 =	vld [tilespmem:s9+$0x21];
	[tilespmem:s1+$0xC100] =	vst v9;
	s1 =	sor.u32 $0x42F, s0;
	v9 =	vmov v41;
	s0 =	smov.u32 s25  }
0x168: {  	v27 =	vld [tilespmem:s9+$0x11];
	[tilespmem:s1+$0xC100] =	vst v7;
	v7 =	vmov v42  }
0x169: {  	v30 =	vld [tilespmem:s9+$0x1];
	[tilespmem:s3+$0xC100] =	vst v6;
	v6 =	vmov v35  }
0x16a: {  	v35 =	vld [tilespmem:s28+$0x30]  }
0x16b: {  	v39 =	vld [tilespmem:s28+$0x10]  }
0x16c: {  	v41 =	vld [tilespmem:s28+$0x0]  }
0x16d: {  	v40 =	vld [tilespmem:s28+$0x20]  }
0x16e: {  	v42 =	vld [tilespmem:s28+$0x60]  }
0x16f: {  	v43 =	vld [tilespmem:s28+$0x50]  }
0x170: {  	s1 =	sand.u32 $0x3800, s16;
	s3 =	sadd.s32 $0x100, s26;
	v44 =	vld [tilespmem:s28+$0x40]  }
0x171: {  	s1 =	sor.u32 $0xC100, s1;
	s3 =	sand.u32 $0x300, s3;
	v45 =	vld [tilespmem:s9+$0x0]  }
0x172: {  	s25 =	sadd.s32 s3, s1;
	v46 =	vld [tilespmem:s28+$0x6F]  }
0x173: {  	s3 =	sadd.s32 $0x180, s26;
	v47 =	vld [tilespmem:s9+$0xFFFFFF00];
	[tilespmem:s25+$0x60] =	vst v42  }
0x174: {  	s3 =	sand.u32 $0x380, s3;
	[tilespmem:s25+$0x50] =	vst v43;
	v43 =	vld [tilespmem:s9+$0x80]  }
0x175: {  	s19 =	sadd.s32 s3, s1;
	[tilespmem:s25+$0x40] =	vst v44;
	v44 =	vld [tilespmem:s28+$0xEF]  }
0x176: {  	v48 =	vld [tilespmem:s9+$0xFFFFFF80];
	[tilespmem:s19+$0x40] =	vst v28  }
0x177: {  	v42 =	vperm.xlane v45, v5;
	v49 =	vld [tilespmem:s28+$0xFFFFFFEF];
	v28 =	vperm.xlane v46, v4;
	[tilespmem:s25+$0x20] =	vst v40  }
0x178: {  	s3 =	sadd.s32 $0x80, s26;
	v45 =	vld [tilespmem:s28+$0xFFFFFF6F];
	[tilespmem:s19+$0x0] =	vst v33  }
0x179: {  	s3 =	sand.u32 $0x280, s3;
	v33 =	vld [tilespmem:s28+$0xFFFFFF10];
	v42 =	vsel vm0, v28, v42;
	[tilespmem:s25+$0x10] =	vst v39  }
0x17a: {  	s20 =	sor.u32 s3, s1;
	v43 =	vperm.xlane v43, v5;
	v28 =	vld [tilespmem:s28+$0xFFFFFF00];
	v39 =	vperm.xlane v44, v4;
	[tilespmem:s19+$0x10] =	vst v38  }
0x17b: {  	v40 =	vld [tilespmem:s28+$0xFFFFFF20];
	[tilespmem:s20+$0x40] =	vst v29  }
0x17c: {  	v46 =	vperm.xlane v48, v5;
	v29 =	vld [tilespmem:s9+$0xFFFFFF01];
	v44 =	vperm.xlane v49, v4;
	[tilespmem:s25+$0x0] =	vst v41;
	v38 =	vsel vm0, v39, v43  }
0x17d: {  	s3 =	sand.u32 $0x200, s26;
	v43 =	vperm.xlane v47, v5;
	v41 =	vld [tilespmem:s28+$0xFFFFFF30];
	v39 =	vperm.xlane v45, v4;
	[tilespmem:s19+$0x20] =	vst v37  }
.Ltmp6:
0x17e: {  	s22 =	sor.u32 s3, s1;
	v37 =	vsel vm0, v44, v46;
	[tilespmem:s25+$0x30] =	vst v35;
	(pc) =	sbr.rel @p2 .LBB2_9-.Ltmp6, $4  }
0x17f: {  	s1 =	sand.u32 $0x3, s15;
	v39 =	vsel vm0, v39, v43;
	[tilespmem:s22+$0x60] =	vst v34  }
0x180: {  	s26 =	sadd.s32 $0x200, s26;
	s1 =	sshll.u32 s1, $0x8;
	s28 =	sadd.s32 $0x200, s28;
	[tilespmem:s19+$0x50] =	vst v36  }
0x181: {  	p1 =	por !p1, !p1;
	s15 =	sadd.s32 $0x2, s15;
	s1 =	sadd.s32 s16, s1;
	[tilespmem:s22+$0x50] =	vst v32  }
0x182: {  	s16 =	sadd.s32 $0x400, s16;
	s3 =	sadd.s32 $0x100, s1;
	s9 =	sadd.s32 $0x200, s9;
	[tilespmem:s22+$0x40] =	vst v31  }
0x183: {  	[tilespmem:s19+$0x60] =	vst v24  }
0x184: {  	[tilespmem:s22+$0x30] =	vst v41  }
0x185: {  	[tilespmem:s22+$0x20] =	vst v40  }
0x186: {  	[tilespmem:s20+$0x60] =	vst v21  }
0x187: {  	[tilespmem:s19+$0x30] =	vst v23  }
0x188: {  	[tilespmem:s20+$0x50] =	vst v17  }
0x189: {  	[tilespmem:s20+$0x30] =	vst v18  }
0x18a: {  	[tilespmem:s20+$0x20] =	vst v19  }
0x18b: {  	[tilespmem:s20+$0x10] =	vst v20  }
0x18c: {  	[tilespmem:s22+$0x10] =	vst v33  }
0x18d: {  	[tilespmem:s20+$0x0] =	vst v16  }
0x18e: {  	[tilespmem:s19+$0x70] =	vst v38  }
0x18f: {  	[tilespmem:s22+$0x70] =	vst v39  }
0x190: {  	[tilespmem:s20+$0x70] =	vst v37  }
0x191: {  	s1 =	sor.u32 $0x400, s3;
	s26 =	sor.u32 $0x410, s3;
	[tilespmem:s22+$0x0] =	vst v28  }
0x192: {  	s28 =	sor.u32 $0x420, s3;
	s2 =	sor.u32 $0x42F, s3;
	s3 =	sor.u32 $0x400, s8;
	[tilespmem:s1+$0xC100] =	vst v30  }
0x193: {  	[tilespmem:s3+$0xC100] =	vst v22  }
0x194: {  	s14 =	sor.u32 $0x410, s8;
	[tilespmem:s25+$0x70] =	vst v42  }
0x195: {  	[tilespmem:s14+$0xC100] =	vst v15  }
0x196: {  	s15 =	sor.u32 $0x420, s8;
	[tilespmem:s26+$0xC100] =	vst v27  }
0x197: {  	s1 =	simm.s32 $0x1;
	[tilespmem:s15+$0xC100] =	vst v13  }
0x198: {  	s16 =	sor.u32 $0x42F, s8;
	s1 =	simm.s32 @!p0 $0x0;
	[tilespmem:s28+$0xC100] =	vst v26  }
0x199: {  	s1 =	sshll.u32 s1, $0x9;
	[tilespmem:s16+$0xC100] =	vst v12  }
0x19a: {  	s1 =	sadd.s32 s1, s6;
	[tilespmem:s2+$0xC100] =	vst v25;
	s2 =	sor.u32 $0x400, s0  }
0x19b: {  	s9 =	sor.u32 $0x400, s1;
	[tilespmem:s2+$0xC100] =	vst v14  }
0x19c: {  	s12 =	sor.u32 $0x410, s0;
	[tilespmem:s9+$0xC100] =	vst v29  }
0x19d: {  	s19 =	sor.u32 $0x410, s1;
	[tilespmem:s12+$0xC100] =	vst v11  }
0x19e: {  	p0 =	seq.s32 s29, $0x31;
	s20 =	sor.u32 $0x420, s1;
	[tilespmem:s19+$0xC100] =	vst v10  }
.Ltmp7:
0x19f: {  	s22 =	sor.u32 $0x420, s0;
	[tilespmem:s20+$0xC100] =	vst v8;
	(pc) =	sbr.rel @p0 .LBB2_12-.Ltmp7, $4  }
0x1a0: {  	s25 =	sor.u32 $0x42F, s0;
	s26 =	sadd.s32 s31, s10;
	[tilespmem:s22+$0xC100] =	vst v9  }
0x1a1: {  	s28 =	sshrl.u32 s26, $0x3;
	s1 =	sor.u32 $0x42F, s1;
	[tilespmem:s25+$0xC100] =	vst v7  }
0x1a2: {  	s31 =	simm.s32 $0xC100;
	s0 =	sadd.s32 s5, s28;
	[tilespmem:s1+$0xC100] =	vst v6  }
0x1a3: {  	[hbm4b:s0+s4] =	stream.linear.scatter [tilespmem:s31], [sflag:$0x6], $0x4000, $0x38;
	[tilespmem:$0x10100] =	vst v63  }
.Ltmp8:
0x1a4: {  	(pc) =	sbr.rel .LBB2_2-.Ltmp8, $4  }
0x1a5: {  	s0 =	sadd.s32 s30, s11  }
0x1a6: {  	s1 =	rddreg [dreg:$0x0];
	s0 =	sshrl.u32 s0, $0x3  }
0x1a7: {  	s29 =	sadd.s32 $0x1, s29;
	s0 =	sadd.s32 s1, s0  }
0x1a8: {  	[tilespmem:s17], [sflag:$0x2] =	stream.linear.gather [hbm4b:s0+s4], $0x2000, $0x38;
	[tilespmem:$0x10100] =	vst v63  }
.LBB2_13:
0x1a9: {  	_ =	sfence.sel $0x180000  }
0x1aa: {  	[bflag:$0x0] =	sbarrier.arrive $0xFFFF  }
0x1ab: {  	_ =	strace $0x90000047  }
0x1ac: {  	s0 =	stileid.u32;
	[bflag:$0x2] =	sbarrier.arrive $0xFFFF  }
0x1ad: {  	p0 =	sne.s32 s0, $0x0;
	s0 =	rddreg [dreg:$0x3]  }
0x1ae: {  	s0 =	sadd.s32 @!p0 $0x100000, s0  }
0x1af: {  	[sflag:s0] =	ssyncadd.tile.s32 @!p0 $0x1;
	_ =	shalt  }
.Lfunc_end2:
_tile_overlayer_lowered:
.L_overlay_start_2:
0x1b0: {  	(tag) =	ssettag $0x2  }
0x1b1: {  	s0 =	rddreg [dreg:$0x0];
	s2 =	stileid.u32  }
0x1b2: {  	s1 =	rddreg [dreg:$0x1];
	p0 =	sne.s32 s2, $0x0  }
0x1b3: {  	s3 =	rddreg [dreg:$0x2];
	[bflag:$0x3] =	sbarrier.arrive $0xFFFF;
	s2 =	simm.s32 @!p0 $0x1C07  }
0x1b4: {  	[timem:s3], [sflag:s2] =	dma.local @!p0 [hbm:s0], s1  }
0x1b5: {  	s0 =	simm.s32 @!p0 $0x7  }
0x1b6: {  	_ =	swait.ge @!p0 [sflag:s0], s1  }
0x1b7: {  	s1 =	ssub.s32 @!p0 $0x0, s1;
	[sflag:s0] =	ssyncset.done @!p0 $0x0  }
0x1b8: {  	[sflag:s0] =	ssyncadd.s32 @!p0 s1  }
0x1b9: {  	[bflag:$0x3] =	sbarrier.arrive $0xFFFF  }
0x1ba: {  	_ =	shalt  }

</sc_bundles>
